<compile_context>
chip_gen: v7x
topology: tpu7x:2x2x1
jax: 0.10.2.dev20260603
libtpu: 0.0.44.dev20260713+nightly
codegen_flags: <defaults>
</compile_context>

<pallas_src>
import jax
import jax.numpy as jnp
from jax import lax
from jax.experimental import pallas as pl
from jax.experimental.pallas import tpu as pltpu
from jax.experimental.pallas import tpu_sc as plsc

_SHORT = 65536
_MED = 16384
_LONG = 4096
_DIM = 512
_TOTAL = _SHORT + _MED + _LONG
_B = 8192

_L = 16
_NC = 2
_NS = 16
_NW = _NC * _NS

_SLICE = _SHORT // _NW
_NCHUNK = _B // _L
_WCHUNK = _SLICE // _L

_LOG_B = 13
_LOG_SLICE = 11

_BLK = 512
_N_SHORT = _SHORT // _BLK
_N_MED = _MED // _BLK
_N_LONG = _LONG // _BLK
_N_TOT = _TOTAL // _BLK


_HD = 8
_ND = 2 * _HD


def _in_copy(j, slot, short_ref, med_ref, long_ref, buf, in_sems):
    @pl.when(j < _N_SHORT)
    def _():
        pltpu.make_async_copy(
            short_ref.at[pl.ds(j * _BLK, _BLK)], buf.at[slot],
            in_sems.at[slot]).start()

    @pl.when(jnp.logical_and(j >= _N_SHORT, j < _N_SHORT + _N_MED))
    def _():
        pltpu.make_async_copy(
            med_ref.at[pl.ds((j - _N_SHORT) * _BLK, _BLK)], buf.at[slot],
            in_sems.at[slot]).start()

    @pl.when(j >= _N_SHORT + _N_MED)
    def _():
        pltpu.make_async_copy(
            long_ref.at[pl.ds((j - _N_SHORT - _N_MED) * _BLK, _BLK)],
            buf.at[slot], in_sems.at[slot]).start()


def _assemble_body(short_ref, med_ref, long_ref, out_ref, buf, in_sems, out_sems):
    def loop_body(j, carry):
        @pl.when(j < _N_TOT)
        def _():
            slot = lax.rem(j, _ND)

            @pl.when(j >= _ND)
            def _():
                pltpu.make_async_copy(
                    buf.at[slot], out_ref.at[pl.ds(0, _BLK)],
                    out_sems.at[slot]).wait()

            _in_copy(j, slot, short_ref, med_ref, long_ref, buf, in_sems)

        jo = j - _HD

        @pl.when(jnp.logical_and(jo >= 0, jo < _N_TOT))
        def _():
            slot = lax.rem(jo, _ND)
            pltpu.make_async_copy(
                buf.at[slot], out_ref.at[pl.ds(0, _BLK)],
                in_sems.at[slot]).wait()
            pltpu.make_async_copy(
                buf.at[slot], out_ref.at[pl.ds(jo * _BLK, _BLK)],
                out_sems.at[slot]).start()
        return carry

    lax.fori_loop(0, _N_TOT + _HD, loop_body, 0, unroll=False)
    for k in range(_ND):
        pltpu.make_async_copy(
            buf.at[k], out_ref.at[pl.ds(0, _BLK)], out_sems.at[k]).wait()


def _assemble(short_mem, medium_mem, long_mem):
    return pl.pallas_call(
        _assemble_body,
        in_specs=[
            pl.BlockSpec(memory_space=pl.ANY),
            pl.BlockSpec(memory_space=pl.ANY),
            pl.BlockSpec(memory_space=pl.ANY),
        ],
        out_specs=pl.BlockSpec(memory_space=pl.ANY),
        out_shape=jax.ShapeDtypeStruct((_TOTAL, _DIM), jnp.float32),
        scratch_shapes=[
            pltpu.VMEM((_ND, _BLK, _DIM), jnp.float32),
            pltpu.SemaphoreType.DMA((_ND,)),
            pltpu.SemaphoreType.DMA((_ND,)),
        ],
    )(short_mem, medium_mem, long_mem)


def _sc_plan_body(idx_hbm, cl_hbm, cnt_hbm,
                  idx_v, w_v, cl_v, shift_v, cnt_v, sem_idx, sem_out):
    cid = lax.axis_index("c")
    sid = lax.axis_index("s")
    wid = sid * _NC + cid

    idx_cp = pltpu.make_async_copy(idx_hbm, idx_v, sem_idx)
    idx_cp.start()
    idx_cp.wait()

    iota = lax.iota(jnp.int32, _L)
    minus1 = jnp.full((_L,), -1, jnp.int32)

    def init_body(v, carry):
        w_v[pl.ds(v * _L, _L)] = minus1
        return carry

    lax.fori_loop(0, _WCHUNK, init_body, 0, unroll=False)

    def scan_body(c, carry):
        iv = idx_v[pl.ds(c * _L, _L)]
        shift_v[...] = iv
        drop = iota < 0
        for sh in range(1, _L):
            nb = plsc.load_gather(shift_v, [jnp.minimum(iota + sh, _L - 1)])
            drop = drop | ((iv == nb) & (iota + sh < _L))
        mine = lax.shift_right_logical(iv, _LOG_SLICE) == wid
        keep = mine & jnp.logical_not(drop)
        addr = jnp.where(keep, iv & (_SLICE - 1), _SLICE + iota)
        plsc.store_scatter(w_v, [addr], iota + c * _L)
        return carry

    lax.fori_loop(0, _NCHUNK, scan_body, 0, unroll=False)

    def compact_body(v, base):
        wv = w_v[pl.ds(v * _L, _L)]
        m = wv >= 0
        cnt = plsc.all_reduce_population_count(m)
        rank = plsc.cumsum(m.astype(jnp.int32)) - 1
        gdest = wid * _SLICE + v * _L + iota
        comb = gdest * _B + jnp.where(m, wv, 0)
        addr = jnp.where(m, base + rank, _SLICE + iota)
        plsc.store_scatter(cl_v, [addr], comb, mask=m)
        return base + cnt

    base = lax.fori_loop(0, _WCHUNK, compact_body,
                         jnp.zeros((_L,), jnp.int32), unroll=False)

    cnt_v[...] = base
    cl_cp = pltpu.make_async_copy(
        cl_v.at[pl.ds(0, _SLICE)], cl_hbm.at[wid], sem_out)
    cl_cp.start()
    cnt_cp = pltpu.make_async_copy(cnt_v, cnt_hbm.at[wid], sem_out)
    cnt_cp.start()
    cl_cp.wait()
    cnt_cp.wait()


_CD = 8


def _sc_emit_body(upd_hbm, cl_hbm, cnt_hbm, out_hbm,
                  cl_v, cnt_v, row_buf, sem_in, gsems, ssems):
    cid = lax.axis_index("c")
    sid = lax.axis_index("s")
    wid = sid * _NC + cid

    cl_cp = pltpu.make_async_copy(cl_hbm.at[wid], cl_v, sem_in)
    cl_cp.start()
    cnt_cp = pltpu.make_async_copy(cnt_hbm.at[wid], cnt_v, sem_in)
    cnt_cp.start()
    cl_cp.wait()
    cnt_cp.wait()

    n = jnp.max(cnt_v[...])
    nc = lax.shift_right_logical(n + (_L - 1), 4)
    iota = lax.iota(jnp.int32, _L)

    def emit_body(c, dest_prev):
        active = c < nc
        cidx = jnp.minimum(c, _WCHUNK - 1)
        cl = cl_v[pl.ds(cidx * _L, _L)]
        valid = (cidx * _L + iota) < n
        cm = jnp.max(jnp.where(valid, cl, -1))
        clf = jnp.where(valid, cl, cm)
        dest = lax.shift_right_logical(clf, _LOG_B)
        fp = clf & (_B - 1)

        @pl.when(active)
        def _():
            slot = lax.rem(c, _CD)

            @pl.when(c >= _CD)
            def _():
                pltpu.make_async_copy(
                    row_buf.at[slot], out_hbm.at[pl.ds(0, _L)],
                    ssems.at[slot]).wait()

            pltpu.make_async_copy(
                upd_hbm.at[fp], row_buf.at[slot], gsems.at[slot]).start()

        cp = c - 1

        @pl.when(jnp.logical_and(cp >= 0, cp < nc))
        def _():
            slot = lax.rem(cp, _CD)
            pltpu.make_async_copy(
                upd_hbm.at[pl.ds(0, _L)], row_buf.at[slot],
                gsems.at[slot]).wait()
            pltpu.make_async_copy(
                row_buf.at[slot], out_hbm.at[dest_prev], ssems.at[slot]).start()

        return jnp.where(active, dest, dest_prev)

    lax.fori_loop(0, _WCHUNK + 1, emit_body,
                  jnp.zeros((_L,), jnp.int32), unroll=False)

    for k in range(_CD):
        @pl.when(k < nc)
        def _():
            pltpu.make_async_copy(
                row_buf.at[k], out_hbm.at[pl.ds(0, _L)],
                ssems.at[lax.rem(nc - 1 - k, _CD)]).wait()


def _make_sc_kernels():
    mesh = plsc.VectorSubcoreMesh(core_axis_name="c", subcore_axis_name="s")
    plan = pl.kernel(
        _sc_plan_body,
        out_type=(
            jax.ShapeDtypeStruct((_NW, _SLICE), jnp.int32),
            jax.ShapeDtypeStruct((_NW, _L), jnp.int32),
        ),
        mesh=mesh,
        scratch_types=[
            pltpu.VMEM((_B,), jnp.int32),
            pltpu.VMEM((_SLICE + _L,), jnp.int32),
            pltpu.VMEM((_SLICE + _L,), jnp.int32),
            pltpu.VMEM((_L,), jnp.int32),
            pltpu.VMEM((_L,), jnp.int32),
            pltpu.SemaphoreType.DMA,
            pltpu.SemaphoreType.DMA,
        ],
        compiler_params=pltpu.CompilerParams(needs_layout_passes=False),
        name="sc_scatter_plan",
    )
    emit = pl.kernel(
        _sc_emit_body,
        out_type=(),
        mesh=mesh,
        scratch_types=[
            pltpu.VMEM((_SLICE,), jnp.int32),
            pltpu.VMEM((_L,), jnp.int32),
            pltpu.VMEM((_CD, _L, _DIM), jnp.float32),
            pltpu.SemaphoreType.DMA,
            pltpu.SemaphoreType.DMA((_CD,)),
            pltpu.SemaphoreType.DMA((_CD,)),
        ],
        compiler_params=pltpu.CompilerParams(needs_layout_passes=False),
        name="sc_scatter_emit",
    )
    return plan, emit


_sc_plan, _sc_emit = _make_sc_kernels()


def kernel(updates, short_idx, short_mem, medium_mem, long_mem):
    idx32 = short_idx.astype(jnp.int32)
    cl, cnt = _sc_plan(idx32)
    assembled = _assemble(short_mem, medium_mem, long_mem)
    out_ref = jax.new_ref(assembled)
    _sc_emit(updates, cl, cnt, out_ref)
    return jax.freeze(out_ref)

# --- scband reference (transcript-rebuilt; emitter-appended) ---
"""Pipeline reference for scband-hierarchical-memory-35656818492135 (READ-ONLY COPY).

The authoritative reference and input builder live on the scoring server;
editing this copy changes nothing except your own understanding.
"""

import jax, jax.numpy as jnp
import numpy as np

SHORT_LEN = 65536
MEDIUM_LEN = 16384
LONG_LEN = 4096
DIM = 512
B = 8192


def setup_inputs(seed: int = 0) -> dict:
    key = jax.random.key(seed)
    k1, k2, k3, k4, k5 = jax.random.split(key, 5)
    updates = jax.random.normal(k1, (B, DIM), dtype=jnp.float32)
    short_idx = jax.random.randint(k2, (B,), 0, SHORT_LEN, dtype=jnp.int64 if jax.config.jax_enable_x64 else jnp.int32)
    short_mem = jax.random.normal(k3, (SHORT_LEN, DIM), dtype=jnp.float32)
    medium_mem = jax.random.normal(k4, (MEDIUM_LEN, DIM), dtype=jnp.float32)
    long_mem = jax.random.normal(k5, (LONG_LEN, DIM), dtype=jnp.float32)
    return {
        "updates": updates,
        "short_idx": short_idx,
        "short_mem": short_mem,
        "medium_mem": medium_mem,
        "long_mem": long_mem,
    }


def reference(updates, short_idx, short_mem, medium_mem, long_mem):
    # write(): scatter-overwrite rows of the short-term memory bank
    new_short = short_mem.at[short_idx].set(updates)
    # read(): concatenate the three memory banks
    out = jnp.concatenate([new_short, medium_mem, long_mem], axis=0)
    return out

if __name__ == "__main__":
    import jax
    _d = setup_inputs()
    print(jax.jit(kernel)(*tuple(_d.values())))

</pallas_src>

<mosaic_0001>
#map = affine_map<(d0, d1) -> (0, 0)>
module attributes {stable_mosaic.version = 14 : i64} {
  func.func @new_body(%arg0: i32, %arg1: i32, %arg2: memref<8192x512xf32, #tpu.memory_space<hbm>>, %arg3: memref<32x2048xi32, #tpu.memory_space<hbm>>, %arg4: memref<32x16xi32, #tpu.memory_space<hbm>>, %arg5: memref<86016x512xf32, #tpu.memory_space<hbm>>, %arg6: memref<86016x512xf32, #tpu.memory_space<hbm>>, %arg7: memref<2048xi32, #tpu.memory_space<vmem>>, %arg8: memref<16xi32, #tpu.memory_space<vmem>>, %arg9: memref<8x16x512xf32, #tpu.memory_space<vmem>>, %arg10: memref<!tpu.dma_semaphore, #tpu.memory_space<semaphore_mem>>, %arg11: memref<8x!tpu.dma_semaphore, #tpu.memory_space<semaphore_mem>>, %arg12: memref<8x!tpu.dma_semaphore, #tpu.memory_space<semaphore_mem>>) attributes {dimension_semantics = [#tpu.dimension_semantics<core_parallel>, #tpu.dimension_semantics<subcore_parallel>], iteration_bounds = array<i64: 2, 16>, scalar_prefetch = 0 : i64, scratch_operands = 6 : i64, tpu.core_type = #tpu.core_type<sc_vector_subcore>, window_params = [{transform_indices = #map}, {transform_indices = #map}, {transform_indices = #map}, {transform_indices = #map}, {transform_indices = #map}]} {
    %mul3A = arith.constant 2 : i32
    %mul3A_0 = arith.muli %arg1, %mul3A : i32
    %add3A = arith.addi %mul3A_0, %arg0 : i32
    %dma_start3A = arith.constant 0 : i32
    %dma_start3A_1 = tpu.memref_slice %arg3[%add3A, %dma_start3A] : memref<32x2048xi32, #tpu.memory_space<hbm>> -> memref<1x2048xi32, #tpu.memory_space<hbm>>
    %dma_start3A_2 = tpu.memref_squeeze %dma_start3A_1 : memref<1x2048xi32, #tpu.memory_space<hbm>> -> memref<2048xi32, #tpu.memory_space<hbm>>
    %dma_start3A_3 = arith.constant 0 : i32
    %dma_start3A_4 = tpu.memref_slice %arg3[%add3A, %dma_start3A_3] : memref<32x2048xi32, #tpu.memory_space<hbm>> -> memref<1x2048xi32, #tpu.memory_space<hbm>>
    %dma_start3A_5 = tpu.memref_squeeze %dma_start3A_4 : memref<1x2048xi32, #tpu.memory_space<hbm>> -> memref<2048xi32, #tpu.memory_space<hbm>>
    tpu.enqueue_dma source(%dma_start3A_5 : memref<2048xi32, #tpu.memory_space<hbm>>) target(%arg7 : memref<2048xi32, #tpu.memory_space<vmem>>) target_semaphore(%arg10 : memref<!tpu.dma_semaphore, #tpu.memory_space<semaphore_mem>>)
    %dma_start3A_6 = arith.constant 0 : i32
    %dma_start3A_7 = tpu.memref_slice %arg4[%add3A, %dma_start3A_6] : memref<32x16xi32, #tpu.memory_space<hbm>> -> memref<1x16xi32, #tpu.memory_space<hbm>>
    %dma_start3A_8 = tpu.memref_squeeze %dma_start3A_7 : memref<1x16xi32, #tpu.memory_space<hbm>> -> memref<16xi32, #tpu.memory_space<hbm>>
    %dma_start3A_9 = arith.constant 0 : i32
    %dma_start3A_10 = tpu.memref_slice %arg4[%add3A, %dma_start3A_9] : memref<32x16xi32, #tpu.memory_space<hbm>> -> memref<1x16xi32, #tpu.memory_space<hbm>>
    %dma_start3A_11 = tpu.memref_squeeze %dma_start3A_10 : memref<1x16xi32, #tpu.memory_space<hbm>> -> memref<16xi32, #tpu.memory_space<hbm>>
    tpu.enqueue_dma source(%dma_start3A_11 : memref<16xi32, #tpu.memory_space<hbm>>) target(%arg8 : memref<16xi32, #tpu.memory_space<vmem>>) target_semaphore(%arg10 : memref<!tpu.dma_semaphore, #tpu.memory_space<semaphore_mem>>)
    %dma_wait3A = arith.constant 0 : i32
    %dma_wait3A_12 = tpu.memref_slice %arg3[%add3A, %dma_wait3A] : memref<32x2048xi32, #tpu.memory_space<hbm>> -> memref<1x2048xi32, #tpu.memory_space<hbm>>
    %dma_wait3A_13 = tpu.memref_squeeze %dma_wait3A_12 : memref<1x2048xi32, #tpu.memory_space<hbm>> -> memref<2048xi32, #tpu.memory_space<hbm>>
    %dma_wait3A_14 = arith.constant 0 : i32
    %dma_wait3A_15 = tpu.memref_slice %arg3[%add3A, %dma_wait3A_14] : memref<32x2048xi32, #tpu.memory_space<hbm>> -> memref<1x2048xi32, #tpu.memory_space<hbm>>
    %dma_wait3A_16 = tpu.memref_squeeze %dma_wait3A_15 : memref<1x2048xi32, #tpu.memory_space<hbm>> -> memref<2048xi32, #tpu.memory_space<hbm>>
    tpu.wait_dma2 semaphore(%arg10 : memref<!tpu.dma_semaphore, #tpu.memory_space<semaphore_mem>>) src(%dma_wait3A_16 : memref<2048xi32, #tpu.memory_space<hbm>>) dst(%arg7 : memref<2048xi32, #tpu.memory_space<vmem>>)
    %dma_wait3A_17 = arith.constant 0 : i32
    %dma_wait3A_18 = tpu.memref_slice %arg4[%add3A, %dma_wait3A_17] : memref<32x16xi32, #tpu.memory_space<hbm>> -> memref<1x16xi32, #tpu.memory_space<hbm>>
    %dma_wait3A_19 = tpu.memref_squeeze %dma_wait3A_18 : memref<1x16xi32, #tpu.memory_space<hbm>> -> memref<16xi32, #tpu.memory_space<hbm>>
    %dma_wait3A_20 = arith.constant 0 : i32
    %dma_wait3A_21 = tpu.memref_slice %arg4[%add3A, %dma_wait3A_20] : memref<32x16xi32, #tpu.memory_space<hbm>> -> memref<1x16xi32, #tpu.memory_space<hbm>>
    %dma_wait3A_22 = tpu.memref_squeeze %dma_wait3A_21 : memref<1x16xi32, #tpu.memory_space<hbm>> -> memref<16xi32, #tpu.memory_space<hbm>>
    tpu.wait_dma2 semaphore(%arg10 : memref<!tpu.dma_semaphore, #tpu.memory_space<semaphore_mem>>) src(%dma_wait3A_22 : memref<16xi32, #tpu.memory_space<hbm>>) dst(%arg8 : memref<16xi32, #tpu.memory_space<vmem>>)
    %get3A = arith.constant 0 : index
    %get3A_23 = tpu.vector_load %arg8[%get3A] {strides = array<i32>} : memref<16xi32, #tpu.memory_space<vmem>>, vector<16xi32>,
    %reduce_max3A = arith.constant true
    %reduce_max3A_24 = vector.broadcast %reduce_max3A : i1 to vector<16xi1>
    %reduce_max3A_25 = arith.constant -2147483648 : i32
    %reduce_max3A_26 = vector.broadcast %reduce_max3A_25 : i32 to vector<16xi32>
    %reduce_max3A_27 = arith.xori %get3A_23, %reduce_max3A_26 : vector<16xi32>
    %reduce_max3A_28 = tpu.scan <max>, %reduce_max3A_27 masked %reduce_max3A_24 : vector<16xi32>, vector<16xi1> -> vector<16xi32>
    %reduce_max3A_29 = arith.xori %reduce_max3A_28, %reduce_max3A_26 : vector<16xi32>
    %reduce_max3A_30 = vector.extract %reduce_max3A_29[15] : i32 from vector<16xi32>
    %add3A_31 = arith.constant 15 : i32
    %add3A_32 = arith.addi %reduce_max3A_30, %add3A_31 : i32
    %shift_right_logical3A = arith.constant 4 : i32
    %shift_right_logical3A_33 = arith.shrui %add3A_32, %shift_right_logical3A : i32
    %iota3A = tpu.iota {dimensions = array<i32: 0>} : vector<16xi32>
    %broadcast_in_dim3A = arith.constant 0 : i32
    %broadcast_in_dim3A_34 = vector.broadcast %broadcast_in_dim3A : i32 to vector<16xi32>
    %scan3A = arith.constant 0 : i32
    %scan3A_35 = arith.constant 129 : i32
    %scan3A_36 = arith.addi %scan3A, %scan3A_35 : i32
    %scan3A_37 = arith.constant 1 : i32
    %scan3A_38 = scf.for %scan3A_77 = %scan3A to %scan3A_36 step %scan3A_37 iter_args(%scan3A_78 = %broadcast_in_dim3A_34) -> (vector<16xi32>)  : i32 {
      %lt3A = arith.cmpi slt, %scan3A_77, %shift_right_logical3A_33 : i32
      %min3A = arith.constant 127 : i32
      %min3A_79 = arith.minsi %scan3A_77, %min3A : i32
      %mul3A_80 = arith.constant 16 : i32
      %mul3A_81 = arith.muli %min3A_79, %mul3A_80 : i32
      %get3A_82 = arith.index_cast %mul3A_81 : i32 to index
      %get3A_83 = tpu.vector_load %arg7[%get3A_82] {strides = array<i32>} : memref<2048xi32, #tpu.memory_space<vmem>>, vector<16xi32>,
      %mul3A_84 = arith.constant 16 : i32
      %mul3A_85 = arith.muli %min3A_79, %mul3A_84 : i32
      %add3A_86 = vector.broadcast %mul3A_85 : i32 to vector<16xi32>
      %add3A_87 = arith.addi %add3A_86, %iota3A : vector<16xi32>
      %lt3A_88 = vector.broadcast %reduce_max3A_30 : i32 to vector<16xi32>
      %lt3A_89 = arith.cmpi slt, %add3A_87, %lt3A_88 : vector<16xi32>
      %jit3A = arith.constant -1 : i32
      %broadcast_in_dim3A_90 = vector.broadcast %jit3A : i32 to vector<16xi32>
      %select_n3A = arith.select %lt3A_89, %get3A_83, %broadcast_in_dim3A_90 : vector<16xi1>, vector<16xi32>
      %reduce_max3A_91 = arith.constant true
      %reduce_max3A_92 = vector.broadcast %reduce_max3A_91 : i1 to vector<16xi1>
      %reduce_max3A_93 = arith.constant -2147483648 : i32
      %reduce_max3A_94 = vector.broadcast %reduce_max3A_93 : i32 to vector<16xi32>
      %reduce_max3A_95 = arith.xori %select_n3A, %reduce_max3A_94 : vector<16xi32>
      %reduce_max3A_96 = tpu.scan <max>, %reduce_max3A_95 masked %reduce_max3A_92 : vector<16xi32>, vector<16xi1> -> vector<16xi32>
      %reduce_max3A_97 = arith.xori %reduce_max3A_96, %reduce_max3A_94 : vector<16xi32>
      %reduce_max3A_98 = vector.extract %reduce_max3A_97[15] : i32 from vector<16xi32>
      %broadcast_in_dim3A_99 = vector.broadcast %reduce_max3A_98 : i32 to vector<16xi32>
      %select_n3A_100 = arith.select %lt3A_89, %get3A_83, %broadcast_in_dim3A_99 : vector<16xi1>, vector<16xi32>
      %shift_right_logical3A_101 = arith.constant 13 : i32
      %shift_right_logical3A_102 = vector.broadcast %shift_right_logical3A_101 : i32 to vector<16xi32>
      %shift_right_logical3A_103 = arith.shrui %select_n3A_100, %shift_right_logical3A_102 : vector<16xi32>
      %and3A = arith.constant 8191 : i32
      %and3A_104 = vector.broadcast %and3A : i32 to vector<16xi32>
      %and3A_105 = arith.andi %select_n3A_100, %and3A_104 : vector<16xi32>
      %convert_element_type3A_106 = arith.extui %lt3A : i1 to i32
      %cond3A_107 = arith.constant 0 : i32
      %cond3A_108 = arith.cmpi ne, %convert_element_type3A_106, %cond3A_107 : i32
      scf.if %cond3A_108 {
        %rem3A = arith.constant 8 : i32
        %rem3A_117 = arith.remsi %scan3A_77, %rem3A : i32
        %ge3A_118 = arith.constant 8 : i32
        %ge3A_119 = arith.cmpi sge, %scan3A_77, %ge3A_118 : i32
        %convert_element_type3A_120 = arith.extui %ge3A_119 : i1 to i32
        %cond3A_121 = arith.constant 0 : i32
        %cond3A_122 = arith.cmpi ne, %convert_element_type3A_120, %cond3A_121 : i32
        scf.if %cond3A_122 {
          %dma_wait3A_132 = arith.constant 0 : i32
          %dma_wait3A_133 = arith.constant 0 : i32
          %dma_wait3A_134 = tpu.memref_slice %arg9[%rem3A_117, %dma_wait3A_132, %dma_wait3A_133] : memref<8x16x512xf32, #tpu.memory_space<vmem>> -> memref<1x16x512xf32, #tpu.memory_space<vmem>>
          %dma_wait3A_135 = tpu.memref_squeeze %dma_wait3A_134 : memref<1x16x512xf32, #tpu.memory_space<vmem>> -> memref<16x512xf32, #tpu.memory_space<vmem>>
          %dma_wait3A_136 = arith.constant 0 : i32
          %dma_wait3A_137 = arith.constant 0 : i32
          %dma_wait3A_138 = tpu.memref_slice %arg5[%dma_wait3A_136, %dma_wait3A_137] : memref<86016x512xf32, #tpu.memory_space<hbm>> -> memref<16x512xf32, #tpu.memory_space<hbm>>
          %dma_wait3A_139 = tpu.memref_slice %arg12[%rem3A_117] : memref<8x!tpu.dma_semaphore, #tpu.memory_space<semaphore_mem>> -> memref<1x!tpu.dma_semaphore, #tpu.memory_space<semaphore_mem>>
          %dma_wait3A_140 = tpu.memref_squeeze %dma_wait3A_139 : memref<1x!tpu.dma_semaphore, #tpu.memory_space<semaphore_mem>> -> memref<!tpu.dma_semaphore, #tpu.memory_space<semaphore_mem>>
          %dma_wait3A_141 = arith.constant 0 : i32
          %dma_wait3A_142 = arith.constant 0 : i32
          %dma_wait3A_143 = tpu.memref_slice %arg5[%dma_wait3A_141, %dma_wait3A_142] : memref<86016x512xf32, #tpu.memory_space<hbm>> -> memref<16x512xf32, #tpu.memory_space<hbm>>
          %dma_wait3A_144 = arith.constant 0 : i32
          %dma_wait3A_145 = arith.constant 0 : i32
          %dma_wait3A_146 = tpu.memref_slice %arg9[%rem3A_117, %dma_wait3A_144, %dma_wait3A_145] : memref<8x16x512xf32, #tpu.memory_space<vmem>> -> memref<1x16x512xf32, #tpu.memory_space<vmem>>
          %dma_wait3A_147 = tpu.memref_squeeze %dma_wait3A_146 : memref<1x16x512xf32, #tpu.memory_space<vmem>> -> memref<16x512xf32, #tpu.memory_space<vmem>>
          tpu.wait_dma2 semaphore(%dma_wait3A_140 : memref<!tpu.dma_semaphore, #tpu.memory_space<semaphore_mem>>) src(%dma_wait3A_147 : memref<16x512xf32, #tpu.memory_space<vmem>>) dst(%dma_wait3A_143 : memref<16x512xf32, #tpu.memory_space<hbm>>)
        } else {
        }
        %dma_start3A_123 = arith.constant 0 : i32
        %dma_start3A_124 = arith.constant 0 : i32
        %dma_start3A_125 = tpu.memref_slice %arg9[%rem3A_117, %dma_start3A_123, %dma_start3A_124] : memref<8x16x512xf32, #tpu.memory_space<vmem>> -> memref<1x16x512xf32, #tpu.memory_space<vmem>>
        %dma_start3A_126 = tpu.memref_squeeze %dma_start3A_125 : memref<1x16x512xf32, #tpu.memory_space<vmem>> -> memref<16x512xf32, #tpu.memory_space<vmem>>
        %dma_start3A_127 = arith.constant 0 : i32
        %dma_start3A_128 = arith.constant 0 : i32
        %dma_start3A_129 = tpu.memref_slice %arg2[%dma_start3A_127, %dma_start3A_128] : memref<8192x512xf32, #tpu.memory_space<hbm>> -> memref<8192x512xf32, #tpu.memory_space<hbm>>
        %dma_start3A_130 = tpu.memref_slice %arg11[%rem3A_117] : memref<8x!tpu.dma_semaphore, #tpu.memory_space<semaphore_mem>> -> memref<1x!tpu.dma_semaphore, #tpu.memory_space<semaphore_mem>>
        %dma_start3A_131 = tpu.memref_squeeze %dma_start3A_130 : memref<1x!tpu.dma_semaphore, #tpu.memory_space<semaphore_mem>> -> memref<!tpu.dma_semaphore, #tpu.memory_space<semaphore_mem>>
        tpu.enqueue_indirect_dma source(%dma_start3A_129 : memref<8192x512xf32, #tpu.memory_space<hbm>>) target(%dma_start3A_126 : memref<16x512xf32, #tpu.memory_space<vmem>>) offsets(%and3A_105 : vector<16xi32>) semaphore(%dma_start3A_131 : memref<!tpu.dma_semaphore, #tpu.memory_space<semaphore_mem>>)
      } else {
      }
      %sub3A = arith.constant 1 : i32
      %sub3A_109 = arith.subi %scan3A_77, %sub3A : i32
      %ge3A = arith.constant 0 : i32
      %ge3A_110 = arith.cmpi sge, %sub3A_109, %ge3A : i32
      %lt3A_111 = arith.cmpi slt, %sub3A_109, %shift_right_logical3A_33 : i32
      %and3A_112 = arith.andi %ge3A_110, %lt3A_111 : i1
      %convert_element_type3A_113 = arith.extui %and3A_112 : i1 to i32
      %cond3A_114 = arith.constant 0 : i32
      %cond3A_115 = arith.cmpi ne, %convert_element_type3A_113, %cond3A_114 : i32
      scf.if %cond3A_115 {
        %rem3A = arith.constant 8 : i32
        %rem3A_117 = arith.remsi %sub3A_109, %rem3A : i32
        %dma_wait3A_118 = arith.constant 0 : i32
        %dma_wait3A_119 = arith.constant 0 : i32
        %dma_wait3A_120 = tpu.memref_slice %arg9[%rem3A_117, %dma_wait3A_118, %dma_wait3A_119] : memref<8x16x512xf32, #tpu.memory_space<vmem>> -> memref<1x16x512xf32, #tpu.memory_space<vmem>>
        %dma_wait3A_121 = tpu.memref_squeeze %dma_wait3A_120 : memref<1x16x512xf32, #tpu.memory_space<vmem>> -> memref<16x512xf32, #tpu.memory_space<vmem>>
        %dma_wait3A_122 = arith.constant 0 : i32
        %dma_wait3A_123 = arith.constant 0 : i32
        %dma_wait3A_124 = tpu.memref_slice %arg2[%dma_wait3A_122, %dma_wait3A_123] : memref<8192x512xf32, #tpu.memory_space<hbm>> -> memref<16x512xf32, #tpu.memory_space<hbm>>
        %dma_wait3A_125 = tpu.memref_slice %arg11[%rem3A_117] : memref<8x!tpu.dma_semaphore, #tpu.memory_space<semaphore_mem>> -> memref<1x!tpu.dma_semaphore, #tpu.memory_space<semaphore_mem>>
        %dma_wait3A_126 = tpu.memref_squeeze %dma_wait3A_125 : memref<1x!tpu.dma_semaphore, #tpu.memory_space<semaphore_mem>> -> memref<!tpu.dma_semaphore, #tpu.memory_space<semaphore_mem>>
        %dma_wait3A_127 = arith.constant 0 : i32
        %dma_wait3A_128 = arith.constant 0 : i32
        %dma_wait3A_129 = tpu.memref_slice %arg9[%rem3A_117, %dma_wait3A_127, %dma_wait3A_128] : memref<8x16x512xf32, #tpu.memory_space<vmem>> -> memref<1x16x512xf32, #tpu.memory_space<vmem>>
        %dma_wait3A_130 = tpu.memref_squeeze %dma_wait3A_129 : memref<1x16x512xf32, #tpu.memory_space<vmem>> -> memref<16x512xf32, #tpu.memory_space<vmem>>
        %dma_wait3A_131 = arith.constant 0 : i32
        %dma_wait3A_132 = arith.constant 0 : i32
        %dma_wait3A_133 = tpu.memref_slice %arg2[%dma_wait3A_131, %dma_wait3A_132] : memref<8192x512xf32, #tpu.memory_space<hbm>> -> memref<16x512xf32, #tpu.memory_space<hbm>>
        tpu.wait_dma2 semaphore(%dma_wait3A_126 : memref<!tpu.dma_semaphore, #tpu.memory_space<semaphore_mem>>) src(%dma_wait3A_133 : memref<16x512xf32, #tpu.memory_space<hbm>>) dst(%dma_wait3A_130 : memref<16x512xf32, #tpu.memory_space<vmem>>)
        %dma_start3A_134 = arith.constant 0 : i32
        %dma_start3A_135 = arith.constant 0 : i32
        %dma_start3A_136 = tpu.memref_slice %arg9[%rem3A_117, %dma_start3A_134, %dma_start3A_135] : memref<8x16x512xf32, #tpu.memory_space<vmem>> -> memref<1x16x512xf32, #tpu.memory_space<vmem>>
        %dma_start3A_137 = tpu.memref_squeeze %dma_start3A_136 : memref<1x16x512xf32, #tpu.memory_space<vmem>> -> memref<16x512xf32, #tpu.memory_space<vmem>>
        %dma_start3A_138 = arith.constant 0 : i32
        %dma_start3A_139 = arith.constant 0 : i32
        %dma_start3A_140 = tpu.memref_slice %arg5[%dma_start3A_138, %dma_start3A_139] : memref<86016x512xf32, #tpu.memory_space<hbm>> -> memref<86016x512xf32, #tpu.memory_space<hbm>>
        %dma_start3A_141 = tpu.memref_slice %arg12[%rem3A_117] : memref<8x!tpu.dma_semaphore, #tpu.memory_space<semaphore_mem>> -> memref<1x!tpu.dma_semaphore, #tpu.memory_space<semaphore_mem>>
        %dma_start3A_142 = tpu.memref_squeeze %dma_start3A_141 : memref<1x!tpu.dma_semaphore, #tpu.memory_space<semaphore_mem>> -> memref<!tpu.dma_semaphore, #tpu.memory_space<semaphore_mem>>
        tpu.enqueue_indirect_dma source(%dma_start3A_137 : memref<16x512xf32, #tpu.memory_space<vmem>>) target(%dma_start3A_140 : memref<86016x512xf32, #tpu.memory_space<hbm>>) offsets(%scan3A_78 : vector<16xi32>) semaphore(%dma_start3A_142 : memref<!tpu.dma_semaphore, #tpu.memory_space<semaphore_mem>>)
      } else {
      }
      %select_n3A_116 = arith.select %lt3A, %shift_right_logical3A_103, %scan3A_78 : vector<16xi32>
      scf.yield %select_n3A_116 : vector<16xi32>
    }
    %scan3A_39 = arith.constant 129 : i32
    %gt3A = arith.constant 0 : i32
    %gt3A_40 = arith.cmpi sgt, %shift_right_logical3A_33, %gt3A : i32
    %convert_element_type3A = arith.extui %gt3A_40 : i1 to i32
    %cond3A = arith.constant 0 : i32
    %cond3A_41 = arith.cmpi ne, %convert_element_type3A, %cond3A : i32
    scf.if %cond3A_41 {
      %sub3A = arith.constant 1 : i32
      %sub3A_77 = arith.subi %shift_right_logical3A_33, %sub3A : i32
      %sub3A_78 = arith.constant 0 : i32
      %sub3A_79 = arith.subi %sub3A_77, %sub3A_78 : i32
      %rem3A = arith.constant 8 : i32
      %rem3A_80 = arith.remsi %sub3A_79, %rem3A : i32
      %dma_wait3A_81 = arith.constant 0 : i32
      %dma_wait3A_82 = arith.constant 0 : i32
      %dma_wait3A_83 = arith.constant 0 : i32
      %dma_wait3A_84 = tpu.memref_slice %arg9[%dma_wait3A_81, %dma_wait3A_82, %dma_wait3A_83] : memref<8x16x512xf32, #tpu.memory_space<vmem>> -> memref<1x16x512xf32, #tpu.memory_space<vmem>>
      %dma_wait3A_85 = tpu.memref_squeeze %dma_wait3A_84 : memref<1x16x512xf32, #tpu.memory_space<vmem>> -> memref<16x512xf32, #tpu.memory_space<vmem>>
      %dma_wait3A_86 = arith.constant 0 : i32
      %dma_wait3A_87 = arith.constant 0 : i32
      %dma_wait3A_88 = tpu.memref_slice %arg5[%dma_wait3A_86, %dma_wait3A_87] : memref<86016x512xf32, #tpu.memory_space<hbm>> -> memref<16x512xf32, #tpu.memory_space<hbm>>
      %dma_wait3A_89 = tpu.memref_slice %arg12[%rem3A_80] : memref<8x!tpu.dma_semaphore, #tpu.memory_space<semaphore_mem>> -> memref<1x!tpu.dma_semaphore, #tpu.memory_space<semaphore_mem>>
      %dma_wait3A_90 = tpu.memref_squeeze %dma_wait3A_89 : memref<1x!tpu.dma_semaphore, #tpu.memory_space<semaphore_mem>> -> memref<!tpu.dma_semaphore, #tpu.memory_space<semaphore_mem>>
      %dma_wait3A_91 = arith.constant 0 : i32
      %dma_wait3A_92 = arith.constant 0 : i32
      %dma_wait3A_93 = tpu.memref_slice %arg5[%dma_wait3A_91, %dma_wait3A_92] : memref<86016x512xf32, #tpu.memory_space<hbm>> -> memref<16x512xf32, #tpu.memory_space<hbm>>
      %dma_wait3A_94 = arith.constant 0 : i32
      %dma_wait3A_95 = arith.constant 0 : i32
      %dma_wait3A_96 = tpu.memref_slice %arg9[%dma_wait3A_81, %dma_wait3A_94, %dma_wait3A_95] : memref<8x16x512xf32, #tpu.memory_space<vmem>> -> memref<1x16x512xf32, #tpu.memory_space<vmem>>
      %dma_wait3A_97 = tpu.memref_squeeze %dma_wait3A_96 : memref<1x16x512xf32, #tpu.memory_space<vmem>> -> memref<16x512xf32, #tpu.memory_space<vmem>>
      tpu.wait_dma2 semaphore(%dma_wait3A_90 : memref<!tpu.dma_semaphore, #tpu.memory_space<semaphore_mem>>) src(%dma_wait3A_97 : memref<16x512xf32, #tpu.memory_space<vmem>>) dst(%dma_wait3A_93 : memref<16x512xf32, #tpu.memory_space<hbm>>)
    } else {
    }
    %gt3A_42 = arith.constant 1 : i32
    %gt3A_43 = arith.cmpi sgt, %shift_right_logical3A_33, %gt3A_42 : i32
    %convert_element_type3A_44 = arith.extui %gt3A_43 : i1 to i32
    %cond3A_45 = arith.constant 0 : i32
    %cond3A_46 = arith.cmpi ne, %convert_element_type3A_44, %cond3A_45 : i32
    scf.if %cond3A_46 {
      %sub3A = arith.constant 1 : i32
      %sub3A_77 = arith.subi %shift_right_logical3A_33, %sub3A : i32
      %sub3A_78 = arith.constant 1 : i32
      %sub3A_79 = arith.subi %sub3A_77, %sub3A_78 : i32
      %rem3A = arith.constant 8 : i32
      %rem3A_80 = arith.remsi %sub3A_79, %rem3A : i32
      %dma_wait3A_81 = arith.constant 1 : i32
      %dma_wait3A_82 = arith.constant 0 : i32
      %dma_wait3A_83 = arith.constant 0 : i32
      %dma_wait3A_84 = tpu.memref_slice %arg9[%dma_wait3A_81, %dma_wait3A_82, %dma_wait3A_83] : memref<8x16x512xf32, #tpu.memory_space<vmem>> -> memref<1x16x512xf32, #tpu.memory_space<vmem>>
      %dma_wait3A_85 = tpu.memref_squeeze %dma_wait3A_84 : memref<1x16x512xf32, #tpu.memory_space<vmem>> -> memref<16x512xf32, #tpu.memory_space<vmem>>
      %dma_wait3A_86 = arith.constant 0 : i32
      %dma_wait3A_87 = arith.constant 0 : i32
      %dma_wait3A_88 = tpu.memref_slice %arg5[%dma_wait3A_86, %dma_wait3A_87] : memref<86016x512xf32, #tpu.memory_space<hbm>> -> memref<16x512xf32, #tpu.memory_space<hbm>>
      %dma_wait3A_89 = tpu.memref_slice %arg12[%rem3A_80] : memref<8x!tpu.dma_semaphore, #tpu.memory_space<semaphore_mem>> -> memref<1x!tpu.dma_semaphore, #tpu.memory_space<semaphore_mem>>
      %dma_wait3A_90 = tpu.memref_squeeze %dma_wait3A_89 : memref<1x!tpu.dma_semaphore, #tpu.memory_space<semaphore_mem>> -> memref<!tpu.dma_semaphore, #tpu.memory_space<semaphore_mem>>
      %dma_wait3A_91 = arith.constant 0 : i32
      %dma_wait3A_92 = arith.constant 0 : i32
      %dma_wait3A_93 = tpu.memref_slice %arg5[%dma_wait3A_91, %dma_wait3A_92] : memref<86016x512xf32, #tpu.memory_space<hbm>> -> memref<16x512xf32, #tpu.memory_space<hbm>>
      %dma_wait3A_94 = arith.constant 0 : i32
      %dma_wait3A_95 = arith.constant 0 : i32
      %dma_wait3A_96 = tpu.memref_slice %arg9[%dma_wait3A_81, %dma_wait3A_94, %dma_wait3A_95] : memref<8x16x512xf32, #tpu.memory_space<vmem>> -> memref<1x16x512xf32, #tpu.memory_space<vmem>>
      %dma_wait3A_97 = tpu.memref_squeeze %dma_wait3A_96 : memref<1x16x512xf32, #tpu.memory_space<vmem>> -> memref<16x512xf32, #tpu.memory_space<vmem>>
      tpu.wait_dma2 semaphore(%dma_wait3A_90 : memref<!tpu.dma_semaphore, #tpu.memory_space<semaphore_mem>>) src(%dma_wait3A_97 : memref<16x512xf32, #tpu.memory_space<vmem>>) dst(%dma_wait3A_93 : memref<16x512xf32, #tpu.memory_space<hbm>>)
    } else {
    }
    %gt3A_47 = arith.constant 2 : i32
    %gt3A_48 = arith.cmpi sgt, %shift_right_logical3A_33, %gt3A_47 : i32
    %convert_element_type3A_49 = arith.extui %gt3A_48 : i1 to i32
    %cond3A_50 = arith.constant 0 : i32
    %cond3A_51 = arith.cmpi ne, %convert_element_type3A_49, %cond3A_50 : i32
    scf.if %cond3A_51 {
      %sub3A = arith.constant 1 : i32
      %sub3A_77 = arith.subi %shift_right_logical3A_33, %sub3A : i32
      %sub3A_78 = arith.constant 2 : i32
      %sub3A_79 = arith.subi %sub3A_77, %sub3A_78 : i32
      %rem3A = arith.constant 8 : i32
      %rem3A_80 = arith.remsi %sub3A_79, %rem3A : i32
      %dma_wait3A_81 = arith.constant 2 : i32
      %dma_wait3A_82 = arith.constant 0 : i32
      %dma_wait3A_83 = arith.constant 0 : i32
      %dma_wait3A_84 = tpu.memref_slice %arg9[%dma_wait3A_81, %dma_wait3A_82, %dma_wait3A_83] : memref<8x16x512xf32, #tpu.memory_space<vmem>> -> memref<1x16x512xf32, #tpu.memory_space<vmem>>
      %dma_wait3A_85 = tpu.memref_squeeze %dma_wait3A_84 : memref<1x16x512xf32, #tpu.memory_space<vmem>> -> memref<16x512xf32, #tpu.memory_space<vmem>>
      %dma_wait3A_86 = arith.constant 0 : i32
      %dma_wait3A_87 = arith.constant 0 : i32
      %dma_wait3A_88 = tpu.memref_slice %arg5[%dma_wait3A_86, %dma_wait3A_87] : memref<86016x512xf32, #tpu.memory_space<hbm>> -> memref<16x512xf32, #tpu.memory_space<hbm>>
      %dma_wait3A_89 = tpu.memref_slice %arg12[%rem3A_80] : memref<8x!tpu.dma_semaphore, #tpu.memory_space<semaphore_mem>> -> memref<1x!tpu.dma_semaphore, #tpu.memory_space<semaphore_mem>>
      %dma_wait3A_90 = tpu.memref_squeeze %dma_wait3A_89 : memref<1x!tpu.dma_semaphore, #tpu.memory_space<semaphore_mem>> -> memref<!tpu.dma_semaphore, #tpu.memory_space<semaphore_mem>>
      %dma_wait3A_91 = arith.constant 0 : i32
      %dma_wait3A_92 = arith.constant 0 : i32
      %dma_wait3A_93 = tpu.memref_slice %arg5[%dma_wait3A_91, %dma_wait3A_92] : memref<86016x512xf32, #tpu.memory_space<hbm>> -> memref<16x512xf32, #tpu.memory_space<hbm>>
      %dma_wait3A_94 = arith.constant 0 : i32
      %dma_wait3A_95 = arith.constant 0 : i32
      %dma_wait3A_96 = tpu.memref_slice %arg9[%dma_wait3A_81, %dma_wait3A_94, %dma_wait3A_95] : memref<8x16x512xf32, #tpu.memory_space<vmem>> -> memref<1x16x512xf32, #tpu.memory_space<vmem>>
      %dma_wait3A_97 = tpu.memref_squeeze %dma_wait3A_96 : memref<1x16x512xf32, #tpu.memory_space<vmem>> -> memref<16x512xf32, #tpu.memory_space<vmem>>
      tpu.wait_dma2 semaphore(%dma_wait3A_90 : memref<!tpu.dma_semaphore, #tpu.memory_space<semaphore_mem>>) src(%dma_wait3A_97 : memref<16x512xf32, #tpu.memory_space<vmem>>) dst(%dma_wait3A_93 : memref<16x512xf32, #tpu.memory_space<hbm>>)
    } else {
    }
    %gt3A_52 = arith.constant 3 : i32
    %gt3A_53 = arith.cmpi sgt, %shift_right_logical3A_33, %gt3A_52 : i32
    %convert_element_type3A_54 = arith.extui %gt3A_53 : i1 to i32
    %cond3A_55 = arith.constant 0 : i32
    %cond3A_56 = arith.cmpi ne, %convert_element_type3A_54, %cond3A_55 : i32
    scf.if %cond3A_56 {
      %sub3A = arith.constant 1 : i32
      %sub3A_77 = arith.subi %shift_right_logical3A_33, %sub3A : i32
      %sub3A_78 = arith.constant 3 : i32
      %sub3A_79 = arith.subi %sub3A_77, %sub3A_78 : i32
      %rem3A = arith.constant 8 : i32
      %rem3A_80 = arith.remsi %sub3A_79, %rem3A : i32
      %dma_wait3A_81 = arith.constant 3 : i32
      %dma_wait3A_82 = arith.constant 0 : i32
      %dma_wait3A_83 = arith.constant 0 : i32
      %dma_wait3A_84 = tpu.memref_slice %arg9[%dma_wait3A_81, %dma_wait3A_82, %dma_wait3A_83] : memref<8x16x512xf32, #tpu.memory_space<vmem>> -> memref<1x16x512xf32, #tpu.memory_space<vmem>>
      %dma_wait3A_85 = tpu.memref_squeeze %dma_wait3A_84 : memref<1x16x512xf32, #tpu.memory_space<vmem>> -> memref<16x512xf32, #tpu.memory_space<vmem>>
      %dma_wait3A_86 = arith.constant 0 : i32
      %dma_wait3A_87 = arith.constant 0 : i32
      %dma_wait3A_88 = tpu.memref_slice %arg5[%dma_wait3A_86, %dma_wait3A_87] : memref<86016x512xf32, #tpu.memory_space<hbm>> -> memref<16x512xf32, #tpu.memory_space<hbm>>
      %dma_wait3A_89 = tpu.memref_slice %arg12[%rem3A_80] : memref<8x!tpu.dma_semaphore, #tpu.memory_space<semaphore_mem>> -> memref<1x!tpu.dma_semaphore, #tpu.memory_space<semaphore_mem>>
      %dma_wait3A_90 = tpu.memref_squeeze %dma_wait3A_89 : memref<1x!tpu.dma_semaphore, #tpu.memory_space<semaphore_mem>> -> memref<!tpu.dma_semaphore, #tpu.memory_space<semaphore_mem>>
      %dma_wait3A_91 = arith.constant 0 : i32
      %dma_wait3A_92 = arith.constant 0 : i32
      %dma_wait3A_93 = tpu.memref_slice %arg5[%dma_wait3A_91, %dma_wait3A_92] : memref<86016x512xf32, #tpu.memory_space<hbm>> -> memref<16x512xf32, #tpu.memory_space<hbm>>
      %dma_wait3A_94 = arith.constant 0 : i32
      %dma_wait3A_95 = arith.constant 0 : i32
      %dma_wait3A_96 = tpu.memref_slice %arg9[%dma_wait3A_81, %dma_wait3A_94, %dma_wait3A_95] : memref<8x16x512xf32, #tpu.memory_space<vmem>> -> memref<1x16x512xf32, #tpu.memory_space<vmem>>
      %dma_wait3A_97 = tpu.memref_squeeze %dma_wait3A_96 : memref<1x16x512xf32, #tpu.memory_space<vmem>> -> memref<16x512xf32, #tpu.memory_space<vmem>>
      tpu.wait_dma2 semaphore(%dma_wait3A_90 : memref<!tpu.dma_semaphore, #tpu.memory_space<semaphore_mem>>) src(%dma_wait3A_97 : memref<16x512xf32, #tpu.memory_space<vmem>>) dst(%dma_wait3A_93 : memref<16x512xf32, #tpu.memory_space<hbm>>)
    } else {
    }
    %gt3A_57 = arith.constant 4 : i32
    %gt3A_58 = arith.cmpi sgt, %shift_right_logical3A_33, %gt3A_57 : i32
    %convert_element_type3A_59 = arith.extui %gt3A_58 : i1 to i32
    %cond3A_60 = arith.constant 0 : i32
    %cond3A_61 = arith.cmpi ne, %convert_element_type3A_59, %cond3A_60 : i32
    scf.if %cond3A_61 {
      %sub3A = arith.constant 1 : i32
      %sub3A_77 = arith.subi %shift_right_logical3A_33, %sub3A : i32
      %sub3A_78 = arith.constant 4 : i32
      %sub3A_79 = arith.subi %sub3A_77, %sub3A_78 : i32
      %rem3A = arith.constant 8 : i32
      %rem3A_80 = arith.remsi %sub3A_79, %rem3A : i32
      %dma_wait3A_81 = arith.constant 4 : i32
      %dma_wait3A_82 = arith.constant 0 : i32
      %dma_wait3A_83 = arith.constant 0 : i32
      %dma_wait3A_84 = tpu.memref_slice %arg9[%dma_wait3A_81, %dma_wait3A_82, %dma_wait3A_83] : memref<8x16x512xf32, #tpu.memory_space<vmem>> -> memref<1x16x512xf32, #tpu.memory_space<vmem>>
      %dma_wait3A_85 = tpu.memref_squeeze %dma_wait3A_84 : memref<1x16x512xf32, #tpu.memory_space<vmem>> -> memref<16x512xf32, #tpu.memory_space<vmem>>
      %dma_wait3A_86 = arith.constant 0 : i32
      %dma_wait3A_87 = arith.constant 0 : i32
      %dma_wait3A_88 = tpu.memref_slice %arg5[%dma_wait3A_86, %dma_wait3A_87] : memref<86016x512xf32, #tpu.memory_space<hbm>> -> memref<16x512xf32, #tpu.memory_space<hbm>>
      %dma_wait3A_89 = tpu.memref_slice %arg12[%rem3A_80] : memref<8x!tpu.dma_semaphore, #tpu.memory_space<semaphore_mem>> -> memref<1x!tpu.dma_semaphore, #tpu.memory_space<semaphore_mem>>
      %dma_wait3A_90 = tpu.memref_squeeze %dma_wait3A_89 : memref<1x!tpu.dma_semaphore, #tpu.memory_space<semaphore_mem>> -> memref<!tpu.dma_semaphore, #tpu.memory_space<semaphore_mem>>
      %dma_wait3A_91 = arith.constant 0 : i32
      %dma_wait3A_92 = arith.constant 0 : i32
      %dma_wait3A_93 = tpu.memref_slice %arg5[%dma_wait3A_91, %dma_wait3A_92] : memref<86016x512xf32, #tpu.memory_space<hbm>> -> memref<16x512xf32, #tpu.memory_space<hbm>>
      %dma_wait3A_94 = arith.constant 0 : i32
      %dma_wait3A_95 = arith.constant 0 : i32
      %dma_wait3A_96 = tpu.memref_slice %arg9[%dma_wait3A_81, %dma_wait3A_94, %dma_wait3A_95] : memref<8x16x512xf32, #tpu.memory_space<vmem>> -> memref<1x16x512xf32, #tpu.memory_space<vmem>>
      %dma_wait3A_97 = tpu.memref_squeeze %dma_wait3A_96 : memref<1x16x512xf32, #tpu.memory_space<vmem>> -> memref<16x512xf32, #tpu.memory_space<vmem>>
      tpu.wait_dma2 semaphore(%dma_wait3A_90 : memref<!tpu.dma_semaphore, #tpu.memory_space<semaphore_mem>>) src(%dma_wait3A_97 : memref<16x512xf32, #tpu.memory_space<vmem>>) dst(%dma_wait3A_93 : memref<16x512xf32, #tpu.memory_space<hbm>>)
    } else {
    }
    %gt3A_62 = arith.constant 5 : i32
    %gt3A_63 = arith.cmpi sgt, %shift_right_logical3A_33, %gt3A_62 : i32
    %convert_element_type3A_64 = arith.extui %gt3A_63 : i1 to i32
    %cond3A_65 = arith.constant 0 : i32
    %cond3A_66 = arith.cmpi ne, %convert_element_type3A_64, %cond3A_65 : i32
    scf.if %cond3A_66 {
      %sub3A = arith.constant 1 : i32
      %sub3A_77 = arith.subi %shift_right_logical3A_33, %sub3A : i32
      %sub3A_78 = arith.constant 5 : i32
      %sub3A_79 = arith.subi %sub3A_77, %sub3A_78 : i32
      %rem3A = arith.constant 8 : i32
      %rem3A_80 = arith.remsi %sub3A_79, %rem3A : i32
      %dma_wait3A_81 = arith.constant 5 : i32
      %dma_wait3A_82 = arith.constant 0 : i32
      %dma_wait3A_83 = arith.constant 0 : i32
      %dma_wait3A_84 = tpu.memref_slice %arg9[%dma_wait3A_81, %dma_wait3A_82, %dma_wait3A_83] : memref<8x16x512xf32, #tpu.memory_space<vmem>> -> memref<1x16x512xf32, #tpu.memory_space<vmem>>
      %dma_wait3A_85 = tpu.memref_squeeze %dma_wait3A_84 : memref<1x16x512xf32, #tpu.memory_space<vmem>> -> memref<16x512xf32, #tpu.memory_space<vmem>>
      %dma_wait3A_86 = arith.constant 0 : i32
      %dma_wait3A_87 = arith.constant 0 : i32
      %dma_wait3A_88 = tpu.memref_slice %arg5[%dma_wait3A_86, %dma_wait3A_87] : memref<86016x512xf32, #tpu.memory_space<hbm>> -> memref<16x512xf32, #tpu.memory_space<hbm>>
      %dma_wait3A_89 = tpu.memref_slice %arg12[%rem3A_80] : memref<8x!tpu.dma_semaphore, #tpu.memory_space<semaphore_mem>> -> memref<1x!tpu.dma_semaphore, #tpu.memory_space<semaphore_mem>>
      %dma_wait3A_90 = tpu.memref_squeeze %dma_wait3A_89 : memref<1x!tpu.dma_semaphore, #tpu.memory_space<semaphore_mem>> -> memref<!tpu.dma_semaphore, #tpu.memory_space<semaphore_mem>>
      %dma_wait3A_91 = arith.constant 0 : i32
      %dma_wait3A_92 = arith.constant 0 : i32
      %dma_wait3A_93 = tpu.memref_slice %arg5[%dma_wait3A_91, %dma_wait3A_92] : memref<86016x512xf32, #tpu.memory_space<hbm>> -> memref<16x512xf32, #tpu.memory_space<hbm>>
      %dma_wait3A_94 = arith.constant 0 : i32
      %dma_wait3A_95 = arith.constant 0 : i32
      %dma_wait3A_96 = tpu.memref_slice %arg9[%dma_wait3A_81, %dma_wait3A_94, %dma_wait3A_95] : memref<8x16x512xf32, #tpu.memory_space<vmem>> -> memref<1x16x512xf32, #tpu.memory_space<vmem>>
      %dma_wait3A_97 = tpu.memref_squeeze %dma_wait3A_96 : memref<1x16x512xf32, #tpu.memory_space<vmem>> -> memref<16x512xf32, #tpu.memory_space<vmem>>
      tpu.wait_dma2 semaphore(%dma_wait3A_90 : memref<!tpu.dma_semaphore, #tpu.memory_space<semaphore_mem>>) src(%dma_wait3A_97 : memref<16x512xf32, #tpu.memory_space<vmem>>) dst(%dma_wait3A_93 : memref<16x512xf32, #tpu.memory_space<hbm>>)
    } else {
    }
    %gt3A_67 = arith.constant 6 : i32
    %gt3A_68 = arith.cmpi sgt, %shift_right_logical3A_33, %gt3A_67 : i32
    %convert_element_type3A_69 = arith.extui %gt3A_68 : i1 to i32
    %cond3A_70 = arith.constant 0 : i32
    %cond3A_71 = arith.cmpi ne, %convert_element_type3A_69, %cond3A_70 : i32
    scf.if %cond3A_71 {
      %sub3A = arith.constant 1 : i32
      %sub3A_77 = arith.subi %shift_right_logical3A_33, %sub3A : i32
      %sub3A_78 = arith.constant 6 : i32
      %sub3A_79 = arith.subi %sub3A_77, %sub3A_78 : i32
      %rem3A = arith.constant 8 : i32
      %rem3A_80 = arith.remsi %sub3A_79, %rem3A : i32
      %dma_wait3A_81 = arith.constant 6 : i32
      %dma_wait3A_82 = arith.constant 0 : i32
      %dma_wait3A_83 = arith.constant 0 : i32
      %dma_wait3A_84 = tpu.memref_slice %arg9[%dma_wait3A_81, %dma_wait3A_82, %dma_wait3A_83] : memref<8x16x512xf32, #tpu.memory_space<vmem>> -> memref<1x16x512xf32, #tpu.memory_space<vmem>>
      %dma_wait3A_85 = tpu.memref_squeeze %dma_wait3A_84 : memref<1x16x512xf32, #tpu.memory_space<vmem>> -> memref<16x512xf32, #tpu.memory_space<vmem>>
      %dma_wait3A_86 = arith.constant 0 : i32
      %dma_wait3A_87 = arith.constant 0 : i32
      %dma_wait3A_88 = tpu.memref_slice %arg5[%dma_wait3A_86, %dma_wait3A_87] : memref<86016x512xf32, #tpu.memory_space<hbm>> -> memref<16x512xf32, #tpu.memory_space<hbm>>
      %dma_wait3A_89 = tpu.memref_slice %arg12[%rem3A_80] : memref<8x!tpu.dma_semaphore, #tpu.memory_space<semaphore_mem>> -> memref<1x!tpu.dma_semaphore, #tpu.memory_space<semaphore_mem>>
      %dma_wait3A_90 = tpu.memref_squeeze %dma_wait3A_89 : memref<1x!tpu.dma_semaphore, #tpu.memory_space<semaphore_mem>> -> memref<!tpu.dma_semaphore, #tpu.memory_space<semaphore_mem>>
      %dma_wait3A_91 = arith.constant 0 : i32
      %dma_wait3A_92 = arith.constant 0 : i32
      %dma_wait3A_93 = tpu.memref_slice %arg5[%dma_wait3A_91, %dma_wait3A_92] : memref<86016x512xf32, #tpu.memory_space<hbm>> -> memref<16x512xf32, #tpu.memory_space<hbm>>
      %dma_wait3A_94 = arith.constant 0 : i32
      %dma_wait3A_95 = arith.constant 0 : i32
      %dma_wait3A_96 = tpu.memref_slice %arg9[%dma_wait3A_81, %dma_wait3A_94, %dma_wait3A_95] : memref<8x16x512xf32, #tpu.memory_space<vmem>> -> memref<1x16x512xf32, #tpu.memory_space<vmem>>
      %dma_wait3A_97 = tpu.memref_squeeze %dma_wait3A_96 : memref<1x16x512xf32, #tpu.memory_space<vmem>> -> memref<16x512xf32, #tpu.memory_space<vmem>>
      tpu.wait_dma2 semaphore(%dma_wait3A_90 : memref<!tpu.dma_semaphore, #tpu.memory_space<semaphore_mem>>) src(%dma_wait3A_97 : memref<16x512xf32, #tpu.memory_space<vmem>>) dst(%dma_wait3A_93 : memref<16x512xf32, #tpu.memory_space<hbm>>)
    } else {
    }
    %gt3A_72 = arith.constant 7 : i32
    %gt3A_73 = arith.cmpi sgt, %shift_right_logical3A_33, %gt3A_72 : i32
    %convert_element_type3A_74 = arith.extui %gt3A_73 : i1 to i32
    %cond3A_75 = arith.constant 0 : i32
    %cond3A_76 = arith.cmpi ne, %convert_element_type3A_74, %cond3A_75 : i32
    scf.if %cond3A_76 {
      %sub3A = arith.constant 1 : i32
      %sub3A_77 = arith.subi %shift_right_logical3A_33, %sub3A : i32
      %sub3A_78 = arith.constant 7 : i32
      %sub3A_79 = arith.subi %sub3A_77, %sub3A_78 : i32
      %rem3A = arith.constant 8 : i32
      %rem3A_80 = arith.remsi %sub3A_79, %rem3A : i32
      %dma_wait3A_81 = arith.constant 7 : i32
      %dma_wait3A_82 = arith.constant 0 : i32
      %dma_wait3A_83 = arith.constant 0 : i32
      %dma_wait3A_84 = tpu.memref_slice %arg9[%dma_wait3A_81, %dma_wait3A_82, %dma_wait3A_83] : memref<8x16x512xf32, #tpu.memory_space<vmem>> -> memref<1x16x512xf32, #tpu.memory_space<vmem>>
      %dma_wait3A_85 = tpu.memref_squeeze %dma_wait3A_84 : memref<1x16x512xf32, #tpu.memory_space<vmem>> -> memref<16x512xf32, #tpu.memory_space<vmem>>
      %dma_wait3A_86 = arith.constant 0 : i32
      %dma_wait3A_87 = arith.constant 0 : i32
      %dma_wait3A_88 = tpu.memref_slice %arg5[%dma_wait3A_86, %dma_wait3A_87] : memref<86016x512xf32, #tpu.memory_space<hbm>> -> memref<16x512xf32, #tpu.memory_space<hbm>>
      %dma_wait3A_89 = tpu.memref_slice %arg12[%rem3A_80] : memref<8x!tpu.dma_semaphore, #tpu.memory_space<semaphore_mem>> -> memref<1x!tpu.dma_semaphore, #tpu.memory_space<semaphore_mem>>
      %dma_wait3A_90 = tpu.memref_squeeze %dma_wait3A_89 : memref<1x!tpu.dma_semaphore, #tpu.memory_space<semaphore_mem>> -> memref<!tpu.dma_semaphore, #tpu.memory_space<semaphore_mem>>
      %dma_wait3A_91 = arith.constant 0 : i32
      %dma_wait3A_92 = arith.constant 0 : i32
      %dma_wait3A_93 = tpu.memref_slice %arg5[%dma_wait3A_91, %dma_wait3A_92] : memref<86016x512xf32, #tpu.memory_space<hbm>> -> memref<16x512xf32, #tpu.memory_space<hbm>>
      %dma_wait3A_94 = arith.constant 0 : i32
      %dma_wait3A_95 = arith.constant 0 : i32
      %dma_wait3A_96 = tpu.memref_slice %arg9[%dma_wait3A_81, %dma_wait3A_94, %dma_wait3A_95] : memref<8x16x512xf32, #tpu.memory_space<vmem>> -> memref<1x16x512xf32, #tpu.memory_space<vmem>>
      %dma_wait3A_97 = tpu.memref_squeeze %dma_wait3A_96 : memref<1x16x512xf32, #tpu.memory_space<vmem>> -> memref<16x512xf32, #tpu.memory_space<vmem>>
      tpu.wait_dma2 semaphore(%dma_wait3A_90 : memref<!tpu.dma_semaphore, #tpu.memory_space<semaphore_mem>>) src(%dma_wait3A_97 : memref<16x512xf32, #tpu.memory_space<vmem>>) dst(%dma_wait3A_93 : memref<16x512xf32, #tpu.memory_space<hbm>>)
    } else {
    }
    return
  }
}

#map = affine_map<(d0, d1) -> (0)>
#map1 = affine_map<(d0, d1) -> (0, 0)>
module attributes {stable_mosaic.version = 14 : i64} {
  func.func @sc_scatter_plan(%arg0: i32, %arg1: i32, %arg2: memref<8192xi32, #tpu.memory_space<hbm>>, %arg3: memref<32x2048xi32, #tpu.memory_space<hbm>>, %arg4: memref<32x16xi32, #tpu.memory_space<hbm>>, %arg5: memref<8192xi32, #tpu.memory_space<vmem>>, %arg6: memref<2064xi32, #tpu.memory_space<vmem>>, %arg7: memref<2064xi32, #tpu.memory_space<vmem>>, %arg8: memref<16xi32, #tpu.memory_space<vmem>>, %arg9: memref<16xi32, #tpu.memory_space<vmem>>, %arg10: memref<!tpu.dma_semaphore, #tpu.memory_space<semaphore_mem>>, %arg11: memref<!tpu.dma_semaphore, #tpu.memory_space<semaphore_mem>>) attributes {dimension_semantics = [#tpu.dimension_semantics<core_parallel>, #tpu.dimension_semantics<subcore_parallel>], iteration_bounds = array<i64: 2, 16>, scalar_prefetch = 0 : i64, scratch_operands = 7 : i64, tpu.core_type = #tpu.core_type<sc_vector_subcore>, window_params = [{transform_indices = #map}, {transform_indices = #map1}, {transform_indices = #map1}]} {
    %mul3A = arith.constant 2 : i32
    %mul3A_0 = arith.muli %arg1, %mul3A : i32
    %add3A = arith.addi %mul3A_0, %arg0 : i32
    tpu.enqueue_dma source(%arg2 : memref<8192xi32, #tpu.memory_space<hbm>>) target(%arg5 : memref<8192xi32, #tpu.memory_space<vmem>>) target_semaphore(%arg10 : memref<!tpu.dma_semaphore, #tpu.memory_space<semaphore_mem>>)
    tpu.wait_dma2 semaphore(%arg10 : memref<!tpu.dma_semaphore, #tpu.memory_space<semaphore_mem>>) src(%arg2 : memref<8192xi32, #tpu.memory_space<hbm>>) dst(%arg5 : memref<8192xi32, #tpu.memory_space<vmem>>)
    %iota3A = tpu.iota {dimensions = array<i32: 0>} : vector<16xi32>
    %broadcast_in_dim3A = arith.constant -1 : i32
    %broadcast_in_dim3A_1 = vector.broadcast %broadcast_in_dim3A : i32 to vector<16xi32>
    %scan3A = arith.constant 0 : i32
    %scan3A_2 = arith.constant 0 : i32
    %scan3A_3 = arith.constant 128 : i32
    %scan3A_4 = arith.addi %scan3A_2, %scan3A_3 : i32
    %scan3A_5 = arith.constant 1 : i32
    scf.for %scan3A_52 = %scan3A_2 to %scan3A_4 step %scan3A_5  : i32 {
      %mul3A_53 = arith.constant 16 : i32
      %mul3A_54 = arith.muli %scan3A_52, %mul3A_53 : i32
      %swap3A_55 = arith.index_cast %mul3A_54 : i32 to index
      %swap3A_56 = tpu.vector_load %arg6[%swap3A_55] {strides = array<i32>} : memref<2064xi32, #tpu.memory_space<vmem>>, vector<16xi32>,
      tpu.vector_store %arg6[%swap3A_55], %broadcast_in_dim3A_1 {strides = array<i32>} : memref<2064xi32, #tpu.memory_space<vmem>>, vector<16xi32>,
    }
    %scan3A_6 = arith.constant 128 : i32
    %scan3A_7 = arith.constant 0 : i32
    %scan3A_8 = arith.constant 0 : i32
    %scan3A_9 = arith.constant 512 : i32
    %scan3A_10 = arith.addi %scan3A_8, %scan3A_9 : i32
    %scan3A_11 = arith.constant 1 : i32
    scf.for %scan3A_52 = %scan3A_8 to %scan3A_10 step %scan3A_11  : i32 {
      %mul3A_53 = arith.constant 16 : i32
      %mul3A_54 = arith.muli %scan3A_52, %mul3A_53 : i32
      %get3A = arith.index_cast %mul3A_54 : i32 to index
      %get3A_55 = tpu.vector_load %arg5[%get3A] {strides = array<i32>} : memref<8192xi32, #tpu.memory_space<vmem>>, vector<16xi32>,
      %swap3A_56 = arith.constant 0 : index
      %swap3A_57 = tpu.vector_load %arg8[%swap3A_56] {strides = array<i32>} : memref<16xi32, #tpu.memory_space<vmem>>, vector<16xi32>,
      tpu.vector_store %arg8[%swap3A_56], %get3A_55 {strides = array<i32>} : memref<16xi32, #tpu.memory_space<vmem>>, vector<16xi32>,
      %lt3A = arith.constant 0 : i32
      %lt3A_58 = vector.broadcast %lt3A : i32 to vector<16xi32>
      %lt3A_59 = arith.cmpi slt, %iota3A, %lt3A_58 : vector<16xi32>
      %add3A_60 = arith.constant 1 : i32
      %add3A_61 = vector.broadcast %add3A_60 : i32 to vector<16xi32>
      %add3A_62 = arith.addi %iota3A, %add3A_61 : vector<16xi32>
      %min3A = arith.constant 15 : i32
      %min3A_63 = vector.broadcast %min3A : i32 to vector<16xi32>
      %min3A_64 = arith.minsi %add3A_62, %min3A_63 : vector<16xi32>
      %gather3A = tpu.vector_load_idx %arg8[%min3A_64] : memref<16xi32, #tpu.memory_space<vmem>>[vector<16xi32>], vector<16xi32>,
      %eq3A = arith.cmpi eq, %get3A_55, %gather3A : vector<16xi32>
      %add3A_65 = arith.constant 1 : i32
      %add3A_66 = vector.broadcast %add3A_65 : i32 to vector<16xi32>
      %add3A_67 = arith.addi %iota3A, %add3A_66 : vector<16xi32>
      %lt3A_68 = arith.constant 16 : i32
      %lt3A_69 = vector.broadcast %lt3A_68 : i32 to vector<16xi32>
      %lt3A_70 = arith.cmpi slt, %add3A_67, %lt3A_69 : vector<16xi32>
      %and3A = arith.andi %eq3A, %lt3A_70 : vector<16xi1>
      %or3A = arith.ori %lt3A_59, %and3A : vector<16xi1>
      %add3A_71 = arith.constant 2 : i32
      %add3A_72 = vector.broadcast %add3A_71 : i32 to vector<16xi32>
      %add3A_73 = arith.addi %iota3A, %add3A_72 : vector<16xi32>
      %min3A_74 = arith.constant 15 : i32
      %min3A_75 = vector.broadcast %min3A_74 : i32 to vector<16xi32>
      %min3A_76 = arith.minsi %add3A_73, %min3A_75 : vector<16xi32>
      %gather3A_77 = tpu.vector_load_idx %arg8[%min3A_76] : memref<16xi32, #tpu.memory_space<vmem>>[vector<16xi32>], vector<16xi32>,
      %eq3A_78 = arith.cmpi eq, %get3A_55, %gather3A_77 : vector<16xi32>
      %add3A_79 = arith.constant 2 : i32
      %add3A_80 = vector.broadcast %add3A_79 : i32 to vector<16xi32>
      %add3A_81 = arith.addi %iota3A, %add3A_80 : vector<16xi32>
      %lt3A_82 = arith.constant 16 : i32
      %lt3A_83 = vector.broadcast %lt3A_82 : i32 to vector<16xi32>
      %lt3A_84 = arith.cmpi slt, %add3A_81, %lt3A_83 : vector<16xi32>
      %and3A_85 = arith.andi %eq3A_78, %lt3A_84 : vector<16xi1>
      %or3A_86 = arith.ori %or3A, %and3A_85 : vector<16xi1>
      %add3A_87 = arith.constant 3 : i32
      %add3A_88 = vector.broadcast %add3A_87 : i32 to vector<16xi32>
      %add3A_89 = arith.addi %iota3A, %add3A_88 : vector<16xi32>
      %min3A_90 = arith.constant 15 : i32
      %min3A_91 = vector.broadcast %min3A_90 : i32 to vector<16xi32>
      %min3A_92 = arith.minsi %add3A_89, %min3A_91 : vector<16xi32>
      %gather3A_93 = tpu.vector_load_idx %arg8[%min3A_92] : memref<16xi32, #tpu.memory_space<vmem>>[vector<16xi32>], vector<16xi32>,
      %eq3A_94 = arith.cmpi eq, %get3A_55, %gather3A_93 : vector<16xi32>
      %add3A_95 = arith.constant 3 : i32
      %add3A_96 = vector.broadcast %add3A_95 : i32 to vector<16xi32>
      %add3A_97 = arith.addi %iota3A, %add3A_96 : vector<16xi32>
      %lt3A_98 = arith.constant 16 : i32
      %lt3A_99 = vector.broadcast %lt3A_98 : i32 to vector<16xi32>
      %lt3A_100 = arith.cmpi slt, %add3A_97, %lt3A_99 : vector<16xi32>
      %and3A_101 = arith.andi %eq3A_94, %lt3A_100 : vector<16xi1>
      %or3A_102 = arith.ori %or3A_86, %and3A_101 : vector<16xi1>
      %add3A_103 = arith.constant 4 : i32
      %add3A_104 = vector.broadcast %add3A_103 : i32 to vector<16xi32>
      %add3A_105 = arith.addi %iota3A, %add3A_104 : vector<16xi32>
      %min3A_106 = arith.constant 15 : i32
      %min3A_107 = vector.broadcast %min3A_106 : i32 to vector<16xi32>
      %min3A_108 = arith.minsi %add3A_105, %min3A_107 : vector<16xi32>
      %gather3A_109 = tpu.vector_load_idx %arg8[%min3A_108] : memref<16xi32, #tpu.memory_space<vmem>>[vector<16xi32>], vector<16xi32>,
      %eq3A_110 = arith.cmpi eq, %get3A_55, %gather3A_109 : vector<16xi32>
      %add3A_111 = arith.constant 4 : i32
      %add3A_112 = vector.broadcast %add3A_111 : i32 to vector<16xi32>
      %add3A_113 = arith.addi %iota3A, %add3A_112 : vector<16xi32>
      %lt3A_114 = arith.constant 16 : i32
      %lt3A_115 = vector.broadcast %lt3A_114 : i32 to vector<16xi32>
      %lt3A_116 = arith.cmpi slt, %add3A_113, %lt3A_115 : vector<16xi32>
      %and3A_117 = arith.andi %eq3A_110, %lt3A_116 : vector<16xi1>
      %or3A_118 = arith.ori %or3A_102, %and3A_117 : vector<16xi1>
      %add3A_119 = arith.constant 5 : i32
      %add3A_120 = vector.broadcast %add3A_119 : i32 to vector<16xi32>
      %add3A_121 = arith.addi %iota3A, %add3A_120 : vector<16xi32>
      %min3A_122 = arith.constant 15 : i32
      %min3A_123 = vector.broadcast %min3A_122 : i32 to vector<16xi32>
      %min3A_124 = arith.minsi %add3A_121, %min3A_123 : vector<16xi32>
      %gather3A_125 = tpu.vector_load_idx %arg8[%min3A_124] : memref<16xi32, #tpu.memory_space<vmem>>[vector<16xi32>], vector<16xi32>,
      %eq3A_126 = arith.cmpi eq, %get3A_55, %gather3A_125 : vector<16xi32>
      %add3A_127 = arith.constant 5 : i32
      %add3A_128 = vector.broadcast %add3A_127 : i32 to vector<16xi32>
      %add3A_129 = arith.addi %iota3A, %add3A_128 : vector<16xi32>
      %lt3A_130 = arith.constant 16 : i32
      %lt3A_131 = vector.broadcast %lt3A_130 : i32 to vector<16xi32>
      %lt3A_132 = arith.cmpi slt, %add3A_129, %lt3A_131 : vector<16xi32>
      %and3A_133 = arith.andi %eq3A_126, %lt3A_132 : vector<16xi1>
      %or3A_134 = arith.ori %or3A_118, %and3A_133 : vector<16xi1>
      %add3A_135 = arith.constant 6 : i32
      %add3A_136 = vector.broadcast %add3A_135 : i32 to vector<16xi32>
      %add3A_137 = arith.addi %iota3A, %add3A_136 : vector<16xi32>
      %min3A_138 = arith.constant 15 : i32
      %min3A_139 = vector.broadcast %min3A_138 : i32 to vector<16xi32>
      %min3A_140 = arith.minsi %add3A_137, %min3A_139 : vector<16xi32>
      %gather3A_141 = tpu.vector_load_idx %arg8[%min3A_140] : memref<16xi32, #tpu.memory_space<vmem>>[vector<16xi32>], vector<16xi32>,
      %eq3A_142 = arith.cmpi eq, %get3A_55, %gather3A_141 : vector<16xi32>
      %add3A_143 = arith.constant 6 : i32
      %add3A_144 = vector.broadcast %add3A_143 : i32 to vector<16xi32>
      %add3A_145 = arith.addi %iota3A, %add3A_144 : vector<16xi32>
      %lt3A_146 = arith.constant 16 : i32
      %lt3A_147 = vector.broadcast %lt3A_146 : i32 to vector<16xi32>
      %lt3A_148 = arith.cmpi slt, %add3A_145, %lt3A_147 : vector<16xi32>
      %and3A_149 = arith.andi %eq3A_142, %lt3A_148 : vector<16xi1>
      %or3A_150 = arith.ori %or3A_134, %and3A_149 : vector<16xi1>
      %add3A_151 = arith.constant 7 : i32
      %add3A_152 = vector.broadcast %add3A_151 : i32 to vector<16xi32>
      %add3A_153 = arith.addi %iota3A, %add3A_152 : vector<16xi32>
      %min3A_154 = arith.constant 15 : i32
      %min3A_155 = vector.broadcast %min3A_154 : i32 to vector<16xi32>
      %min3A_156 = arith.minsi %add3A_153, %min3A_155 : vector<16xi32>
      %gather3A_157 = tpu.vector_load_idx %arg8[%min3A_156] : memref<16xi32, #tpu.memory_space<vmem>>[vector<16xi32>], vector<16xi32>,
      %eq3A_158 = arith.cmpi eq, %get3A_55, %gather3A_157 : vector<16xi32>
      %add3A_159 = arith.constant 7 : i32
      %add3A_160 = vector.broadcast %add3A_159 : i32 to vector<16xi32>
      %add3A_161 = arith.addi %iota3A, %add3A_160 : vector<16xi32>
      %lt3A_162 = arith.constant 16 : i32
      %lt3A_163 = vector.broadcast %lt3A_162 : i32 to vector<16xi32>
      %lt3A_164 = arith.cmpi slt, %add3A_161, %lt3A_163 : vector<16xi32>
      %and3A_165 = arith.andi %eq3A_158, %lt3A_164 : vector<16xi1>
      %or3A_166 = arith.ori %or3A_150, %and3A_165 : vector<16xi1>
      %add3A_167 = arith.constant 8 : i32
      %add3A_168 = vector.broadcast %add3A_167 : i32 to vector<16xi32>
      %add3A_169 = arith.addi %iota3A, %add3A_168 : vector<16xi32>
      %min3A_170 = arith.constant 15 : i32
      %min3A_171 = vector.broadcast %min3A_170 : i32 to vector<16xi32>
      %min3A_172 = arith.minsi %add3A_169, %min3A_171 : vector<16xi32>
      %gather3A_173 = tpu.vector_load_idx %arg8[%min3A_172] : memref<16xi32, #tpu.memory_space<vmem>>[vector<16xi32>], vector<16xi32>,
      %eq3A_174 = arith.cmpi eq, %get3A_55, %gather3A_173 : vector<16xi32>
      %add3A_175 = arith.constant 8 : i32
      %add3A_176 = vector.broadcast %add3A_175 : i32 to vector<16xi32>
      %add3A_177 = arith.addi %iota3A, %add3A_176 : vector<16xi32>
      %lt3A_178 = arith.constant 16 : i32
      %lt3A_179 = vector.broadcast %lt3A_178 : i32 to vector<16xi32>
      %lt3A_180 = arith.cmpi slt, %add3A_177, %lt3A_179 : vector<16xi32>
      %and3A_181 = arith.andi %eq3A_174, %lt3A_180 : vector<16xi1>
      %or3A_182 = arith.ori %or3A_166, %and3A_181 : vector<16xi1>
      %add3A_183 = arith.constant 9 : i32
      %add3A_184 = vector.broadcast %add3A_183 : i32 to vector<16xi32>
      %add3A_185 = arith.addi %iota3A, %add3A_184 : vector<16xi32>
      %min3A_186 = arith.constant 15 : i32
      %min3A_187 = vector.broadcast %min3A_186 : i32 to vector<16xi32>
      %min3A_188 = arith.minsi %add3A_185, %min3A_187 : vector<16xi32>
      %gather3A_189 = tpu.vector_load_idx %arg8[%min3A_188] : memref<16xi32, #tpu.memory_space<vmem>>[vector<16xi32>], vector<16xi32>,
      %eq3A_190 = arith.cmpi eq, %get3A_55, %gather3A_189 : vector<16xi32>
      %add3A_191 = arith.constant 9 : i32
      %add3A_192 = vector.broadcast %add3A_191 : i32 to vector<16xi32>
      %add3A_193 = arith.addi %iota3A, %add3A_192 : vector<16xi32>
      %lt3A_194 = arith.constant 16 : i32
      %lt3A_195 = vector.broadcast %lt3A_194 : i32 to vector<16xi32>
      %lt3A_196 = arith.cmpi slt, %add3A_193, %lt3A_195 : vector<16xi32>
      %and3A_197 = arith.andi %eq3A_190, %lt3A_196 : vector<16xi1>
      %or3A_198 = arith.ori %or3A_182, %and3A_197 : vector<16xi1>
      %add3A_199 = arith.constant 10 : i32
      %add3A_200 = vector.broadcast %add3A_199 : i32 to vector<16xi32>
      %add3A_201 = arith.addi %iota3A, %add3A_200 : vector<16xi32>
      %min3A_202 = arith.constant 15 : i32
      %min3A_203 = vector.broadcast %min3A_202 : i32 to vector<16xi32>
      %min3A_204 = arith.minsi %add3A_201, %min3A_203 : vector<16xi32>
      %gather3A_205 = tpu.vector_load_idx %arg8[%min3A_204] : memref<16xi32, #tpu.memory_space<vmem>>[vector<16xi32>], vector<16xi32>,
      %eq3A_206 = arith.cmpi eq, %get3A_55, %gather3A_205 : vector<16xi32>
      %add3A_207 = arith.constant 10 : i32
      %add3A_208 = vector.broadcast %add3A_207 : i32 to vector<16xi32>
      %add3A_209 = arith.addi %iota3A, %add3A_208 : vector<16xi32>
      %lt3A_210 = arith.constant 16 : i32
      %lt3A_211 = vector.broadcast %lt3A_210 : i32 to vector<16xi32>
      %lt3A_212 = arith.cmpi slt, %add3A_209, %lt3A_211 : vector<16xi32>
      %and3A_213 = arith.andi %eq3A_206, %lt3A_212 : vector<16xi1>
      %or3A_214 = arith.ori %or3A_198, %and3A_213 : vector<16xi1>
      %add3A_215 = arith.constant 11 : i32
      %add3A_216 = vector.broadcast %add3A_215 : i32 to vector<16xi32>
      %add3A_217 = arith.addi %iota3A, %add3A_216 : vector<16xi32>
      %min3A_218 = arith.constant 15 : i32
      %min3A_219 = vector.broadcast %min3A_218 : i32 to vector<16xi32>
      %min3A_220 = arith.minsi %add3A_217, %min3A_219 : vector<16xi32>
      %gather3A_221 = tpu.vector_load_idx %arg8[%min3A_220] : memref<16xi32, #tpu.memory_space<vmem>>[vector<16xi32>], vector<16xi32>,
      %eq3A_222 = arith.cmpi eq, %get3A_55, %gather3A_221 : vector<16xi32>
      %add3A_223 = arith.constant 11 : i32
      %add3A_224 = vector.broadcast %add3A_223 : i32 to vector<16xi32>
      %add3A_225 = arith.addi %iota3A, %add3A_224 : vector<16xi32>
      %lt3A_226 = arith.constant 16 : i32
      %lt3A_227 = vector.broadcast %lt3A_226 : i32 to vector<16xi32>
      %lt3A_228 = arith.cmpi slt, %add3A_225, %lt3A_227 : vector<16xi32>
      %and3A_229 = arith.andi %eq3A_222, %lt3A_228 : vector<16xi1>
      %or3A_230 = arith.ori %or3A_214, %and3A_229 : vector<16xi1>
      %add3A_231 = arith.constant 12 : i32
      %add3A_232 = vector.broadcast %add3A_231 : i32 to vector<16xi32>
      %add3A_233 = arith.addi %iota3A, %add3A_232 : vector<16xi32>
      %min3A_234 = arith.constant 15 : i32
      %min3A_235 = vector.broadcast %min3A_234 : i32 to vector<16xi32>
      %min3A_236 = arith.minsi %add3A_233, %min3A_235 : vector<16xi32>
      %gather3A_237 = tpu.vector_load_idx %arg8[%min3A_236] : memref<16xi32, #tpu.memory_space<vmem>>[vector<16xi32>], vector<16xi32>,
      %eq3A_238 = arith.cmpi eq, %get3A_55, %gather3A_237 : vector<16xi32>
      %add3A_239 = arith.constant 12 : i32
      %add3A_240 = vector.broadcast %add3A_239 : i32 to vector<16xi32>
      %add3A_241 = arith.addi %iota3A, %add3A_240 : vector<16xi32>
      %lt3A_242 = arith.constant 16 : i32
      %lt3A_243 = vector.broadcast %lt3A_242 : i32 to vector<16xi32>
      %lt3A_244 = arith.cmpi slt, %add3A_241, %lt3A_243 : vector<16xi32>
      %and3A_245 = arith.andi %eq3A_238, %lt3A_244 : vector<16xi1>
      %or3A_246 = arith.ori %or3A_230, %and3A_245 : vector<16xi1>
      %add3A_247 = arith.constant 13 : i32
      %add3A_248 = vector.broadcast %add3A_247 : i32 to vector<16xi32>
      %add3A_249 = arith.addi %iota3A, %add3A_248 : vector<16xi32>
      %min3A_250 = arith.constant 15 : i32
      %min3A_251 = vector.broadcast %min3A_250 : i32 to vector<16xi32>
      %min3A_252 = arith.minsi %add3A_249, %min3A_251 : vector<16xi32>
      %gather3A_253 = tpu.vector_load_idx %arg8[%min3A_252] : memref<16xi32, #tpu.memory_space<vmem>>[vector<16xi32>], vector<16xi32>,
      %eq3A_254 = arith.cmpi eq, %get3A_55, %gather3A_253 : vector<16xi32>
      %add3A_255 = arith.constant 13 : i32
      %add3A_256 = vector.broadcast %add3A_255 : i32 to vector<16xi32>
      %add3A_257 = arith.addi %iota3A, %add3A_256 : vector<16xi32>
      %lt3A_258 = arith.constant 16 : i32
      %lt3A_259 = vector.broadcast %lt3A_258 : i32 to vector<16xi32>
      %lt3A_260 = arith.cmpi slt, %add3A_257, %lt3A_259 : vector<16xi32>
      %and3A_261 = arith.andi %eq3A_254, %lt3A_260 : vector<16xi1>
      %or3A_262 = arith.ori %or3A_246, %and3A_261 : vector<16xi1>
      %add3A_263 = arith.constant 14 : i32
      %add3A_264 = vector.broadcast %add3A_263 : i32 to vector<16xi32>
      %add3A_265 = arith.addi %iota3A, %add3A_264 : vector<16xi32>
      %min3A_266 = arith.constant 15 : i32
      %min3A_267 = vector.broadcast %min3A_266 : i32 to vector<16xi32>
      %min3A_268 = arith.minsi %add3A_265, %min3A_267 : vector<16xi32>
      %gather3A_269 = tpu.vector_load_idx %arg8[%min3A_268] : memref<16xi32, #tpu.memory_space<vmem>>[vector<16xi32>], vector<16xi32>,
      %eq3A_270 = arith.cmpi eq, %get3A_55, %gather3A_269 : vector<16xi32>
      %add3A_271 = arith.constant 14 : i32
      %add3A_272 = vector.broadcast %add3A_271 : i32 to vector<16xi32>
      %add3A_273 = arith.addi %iota3A, %add3A_272 : vector<16xi32>
      %lt3A_274 = arith.constant 16 : i32
      %lt3A_275 = vector.broadcast %lt3A_274 : i32 to vector<16xi32>
      %lt3A_276 = arith.cmpi slt, %add3A_273, %lt3A_275 : vector<16xi32>
      %and3A_277 = arith.andi %eq3A_270, %lt3A_276 : vector<16xi1>
      %or3A_278 = arith.ori %or3A_262, %and3A_277 : vector<16xi1>
      %add3A_279 = arith.constant 15 : i32
      %add3A_280 = vector.broadcast %add3A_279 : i32 to vector<16xi32>
      %add3A_281 = arith.addi %iota3A, %add3A_280 : vector<16xi32>
      %min3A_282 = arith.constant 15 : i32
      %min3A_283 = vector.broadcast %min3A_282 : i32 to vector<16xi32>
      %min3A_284 = arith.minsi %add3A_281, %min3A_283 : vector<16xi32>
      %gather3A_285 = tpu.vector_load_idx %arg8[%min3A_284] : memref<16xi32, #tpu.memory_space<vmem>>[vector<16xi32>], vector<16xi32>,
      %eq3A_286 = arith.cmpi eq, %get3A_55, %gather3A_285 : vector<16xi32>
      %add3A_287 = arith.constant 15 : i32
      %add3A_288 = vector.broadcast %add3A_287 : i32 to vector<16xi32>
      %add3A_289 = arith.addi %iota3A, %add3A_288 : vector<16xi32>
      %lt3A_290 = arith.constant 16 : i32
      %lt3A_291 = vector.broadcast %lt3A_290 : i32 to vector<16xi32>
      %lt3A_292 = arith.cmpi slt, %add3A_289, %lt3A_291 : vector<16xi32>
      %and3A_293 = arith.andi %eq3A_286, %lt3A_292 : vector<16xi1>
      %or3A_294 = arith.ori %or3A_278, %and3A_293 : vector<16xi1>
      %shift_right_logical3A = arith.constant 11 : i32
      %shift_right_logical3A_295 = vector.broadcast %shift_right_logical3A : i32 to vector<16xi32>
      %shift_right_logical3A_296 = arith.shrui %get3A_55, %shift_right_logical3A_295 : vector<16xi32>
      %eq3A_297 = vector.broadcast %add3A : i32 to vector<16xi32>
      %eq3A_298 = arith.cmpi eq, %shift_right_logical3A_296, %eq3A_297 : vector<16xi32>
      %not3A = arith.constant dense<true> : vector<16xi1>
      %not3A_299 = arith.xori %or3A_294, %not3A : vector<16xi1>
      %and3A_300 = arith.andi %eq3A_298, %not3A_299 : vector<16xi1>
      %and3A_301 = arith.constant 2047 : i32
      %and3A_302 = vector.broadcast %and3A_301 : i32 to vector<16xi32>
      %and3A_303 = arith.andi %get3A_55, %and3A_302 : vector<16xi32>
      %add3A_304 = arith.constant 2048 : i32
      %add3A_305 = vector.broadcast %add3A_304 : i32 to vector<16xi32>
      %add3A_306 = arith.addi %add3A_305, %iota3A : vector<16xi32>
      %select_n3A = arith.select %and3A_300, %and3A_303, %add3A_306 : vector<16xi1>, vector<16xi32>
      %mul3A_307 = arith.constant 16 : i32
      %mul3A_308 = arith.muli %scan3A_52, %mul3A_307 : i32
      %add3A_309 = vector.broadcast %mul3A_308 : i32 to vector<16xi32>
      %add3A_310 = arith.addi %iota3A, %add3A_309 : vector<16xi32>
      tpu.vector_store_idx %arg6[%select_n3A], %add3A_310 : memref<2064xi32, #tpu.memory_space<vmem>>[vector<16xi32>], vector<16xi32>,
    }
    %scan3A_12 = arith.constant 512 : i32
    %broadcast_in_dim3A_13 = arith.constant 0 : i32
    %broadcast_in_dim3A_14 = vector.broadcast %broadcast_in_dim3A_13 : i32 to vector<16xi32>
    %scan3A_15 = arith.constant 0 : i32
    %scan3A_16 = arith.constant 128 : i32
    %scan3A_17 = arith.addi %scan3A_15, %scan3A_16 : i32
    %scan3A_18 = arith.constant 1 : i32
    %scan3A_19 = scf.for %scan3A_52 = %scan3A_15 to %scan3A_17 step %scan3A_18 iter_args(%scan3A_53 = %broadcast_in_dim3A_14) -> (vector<16xi32>)  : i32 {
      %mul3A_54 = arith.constant 16 : i32
      %mul3A_55 = arith.muli %scan3A_52, %mul3A_54 : i32
      %get3A = arith.index_cast %mul3A_55 : i32 to index
      %get3A_56 = tpu.vector_load %arg6[%get3A] {strides = array<i32>} : memref<2064xi32, #tpu.memory_space<vmem>>, vector<16xi32>,
      %ge3A = arith.constant 0 : i32
      %ge3A_57 = vector.broadcast %ge3A : i32 to vector<16xi32>
      %ge3A_58 = arith.cmpi sge, %get3A_56, %ge3A_57 : vector<16xi32>
      %all_reduce_population_count3A = tpu.all_reduce %ge3A_58 {dim = 0 : i64, kind = #tpu.reduction_kind<sum>} : vector<16xi1> -> vector<16xi32>
      %convert_element_type3A = arith.extui %ge3A_58 : vector<16xi1> to vector<16xi32>
      %broadcast_in_dim3A_59 = arith.constant true
      %broadcast_in_dim3A_60 = vector.broadcast %broadcast_in_dim3A_59 : i1 to vector<16xi1>
      %masked_cumsum3A = tpu.scan <sum>, %convert_element_type3A masked %broadcast_in_dim3A_60 : vector<16xi32>, vector<16xi1> -> vector<16xi32>
      %sub3A = arith.constant 1 : i32
      %sub3A_61 = vector.broadcast %sub3A : i32 to vector<16xi32>
      %sub3A_62 = arith.subi %masked_cumsum3A, %sub3A_61 : vector<16xi32>
      %mul3A_63 = arith.constant 2048 : i32
      %mul3A_64 = arith.muli %add3A, %mul3A_63 : i32
      %mul3A_65 = arith.constant 16 : i32
      %mul3A_66 = arith.muli %scan3A_52, %mul3A_65 : i32
      %add3A_67 = arith.addi %mul3A_64, %mul3A_66 : i32
      %add3A_68 = vector.broadcast %add3A_67 : i32 to vector<16xi32>
      %add3A_69 = arith.addi %add3A_68, %iota3A : vector<16xi32>
      %mul3A_70 = arith.constant 8192 : i32
      %mul3A_71 = vector.broadcast %mul3A_70 : i32 to vector<16xi32>
      %mul3A_72 = arith.muli %add3A_69, %mul3A_71 : vector<16xi32>
      %jit3A = arith.constant 0 : i32
      %broadcast_in_dim3A_73 = vector.broadcast %jit3A : i32 to vector<16xi32>
      %select_n3A = arith.select %ge3A_58, %get3A_56, %broadcast_in_dim3A_73 : vector<16xi1>, vector<16xi32>
      %add3A_74 = arith.addi %mul3A_72, %select_n3A : vector<16xi32>
      %add3A_75 = arith.addi %scan3A_53, %sub3A_62 : vector<16xi32>
      %add3A_76 = arith.constant 2048 : i32
      %add3A_77 = vector.broadcast %add3A_76 : i32 to vector<16xi32>
      %add3A_78 = arith.addi %add3A_77, %iota3A : vector<16xi32>
      %select_n3A_79 = arith.select %ge3A_58, %add3A_75, %add3A_78 : vector<16xi1>, vector<16xi32>
      tpu.vector_store_idx %arg7[%select_n3A_79], %add3A_74 masked %ge3A_58 : memref<2064xi32, #tpu.memory_space<vmem>>[vector<16xi32>], vector<16xi32>, vector<16xi1>
      %add3A_80 = arith.addi %scan3A_53, %all_reduce_population_count3A : vector<16xi32>
      scf.yield %add3A_80 : vector<16xi32>
    }
    %scan3A_20 = arith.constant 128 : i32
    %swap3A = arith.constant 0 : index
    %swap3A_21 = tpu.vector_load %arg9[%swap3A] {strides = array<i32>} : memref<16xi32, #tpu.memory_space<vmem>>, vector<16xi32>,
    tpu.vector_store %arg9[%swap3A], %scan3A_19 {strides = array<i32>} : memref<16xi32, #tpu.memory_space<vmem>>, vector<16xi32>,
    %dma_start3A = arith.constant 0 : i32
    %dma_start3A_22 = tpu.memref_slice %arg7[%dma_start3A] : memref<2064xi32, #tpu.memory_space<vmem>> -> memref<2048xi32, #tpu.memory_space<vmem>>
    %dma_start3A_23 = arith.constant 0 : i32
    %dma_start3A_24 = tpu.memref_slice %arg3[%add3A, %dma_start3A_23] : memref<32x2048xi32, #tpu.memory_space<hbm>> -> memref<1x2048xi32, #tpu.memory_space<hbm>>
    %dma_start3A_25 = tpu.memref_squeeze %dma_start3A_24 : memref<1x2048xi32, #tpu.memory_space<hbm>> -> memref<2048xi32, #tpu.memory_space<hbm>>
    %dma_start3A_26 = arith.constant 0 : i32
    %dma_start3A_27 = tpu.memref_slice %arg3[%add3A, %dma_start3A_26] : memref<32x2048xi32, #tpu.memory_space<hbm>> -> memref<1x2048xi32, #tpu.memory_space<hbm>>
    %dma_start3A_28 = tpu.memref_squeeze %dma_start3A_27 : memref<1x2048xi32, #tpu.memory_space<hbm>> -> memref<2048xi32, #tpu.memory_space<hbm>>
    %dma_start3A_29 = arith.constant 0 : i32
    %dma_start3A_30 = tpu.memref_slice %arg7[%dma_start3A_29] : memref<2064xi32, #tpu.memory_space<vmem>> -> memref<2048xi32, #tpu.memory_space<vmem>>
    tpu.enqueue_dma source(%dma_start3A_30 : memref<2048xi32, #tpu.memory_space<vmem>>) target(%dma_start3A_28 : memref<2048xi32, #tpu.memory_space<hbm>>) target_semaphore(%arg11 : memref<!tpu.dma_semaphore, #tpu.memory_space<semaphore_mem>>)
    %dma_start3A_31 = arith.constant 0 : i32
    %dma_start3A_32 = tpu.memref_slice %arg4[%add3A, %dma_start3A_31] : memref<32x16xi32, #tpu.memory_space<hbm>> -> memref<1x16xi32, #tpu.memory_space<hbm>>
    %dma_start3A_33 = tpu.memref_squeeze %dma_start3A_32 : memref<1x16xi32, #tpu.memory_space<hbm>> -> memref<16xi32, #tpu.memory_space<hbm>>
    %dma_start3A_34 = arith.constant 0 : i32
    %dma_start3A_35 = tpu.memref_slice %arg4[%add3A, %dma_start3A_34] : memref<32x16xi32, #tpu.memory_space<hbm>> -> memref<1x16xi32, #tpu.memory_space<hbm>>
    %dma_start3A_36 = tpu.memref_squeeze %dma_start3A_35 : memref<1x16xi32, #tpu.memory_space<hbm>> -> memref<16xi32, #tpu.memory_space<hbm>>
    tpu.enqueue_dma source(%arg9 : memref<16xi32, #tpu.memory_space<vmem>>) target(%dma_start3A_36 : memref<16xi32, #tpu.memory_space<hbm>>) target_semaphore(%arg11 : memref<!tpu.dma_semaphore, #tpu.memory_space<semaphore_mem>>)
    %dma_wait3A = arith.constant 0 : i32
    %dma_wait3A_37 = tpu.memref_slice %arg7[%dma_wait3A] : memref<2064xi32, #tpu.memory_space<vmem>> -> memref<2048xi32, #tpu.memory_space<vmem>>
    %dma_wait3A_38 = arith.constant 0 : i32
    %dma_wait3A_39 = tpu.memref_slice %arg3[%add3A, %dma_wait3A_38] : memref<32x2048xi32, #tpu.memory_space<hbm>> -> memref<1x2048xi32, #tpu.memory_space<hbm>>
    %dma_wait3A_40 = tpu.memref_squeeze %dma_wait3A_39 : memref<1x2048xi32, #tpu.memory_space<hbm>> -> memref<2048xi32, #tpu.memory_space<hbm>>
    %dma_wait3A_41 = arith.constant 0 : i32
    %dma_wait3A_42 = tpu.memref_slice %arg3[%add3A, %dma_wait3A_41] : memref<32x2048xi32, #tpu.memory_space<hbm>> -> memref<1x2048xi32, #tpu.memory_space<hbm>>
    %dma_wait3A_43 = tpu.memref_squeeze %dma_wait3A_42 : memref<1x2048xi32, #tpu.memory_space<hbm>> -> memref<2048xi32, #tpu.memory_space<hbm>>
    %dma_wait3A_44 = arith.constant 0 : i32
    %dma_wait3A_45 = tpu.memref_slice %arg7[%dma_wait3A_44] : memref<2064xi32, #tpu.memory_space<vmem>> -> memref<2048xi32, #tpu.memory_space<vmem>>
    tpu.wait_dma2 semaphore(%arg11 : memref<!tpu.dma_semaphore, #tpu.memory_space<semaphore_mem>>) src(%dma_wait3A_45 : memref<2048xi32, #tpu.memory_space<vmem>>) dst(%dma_wait3A_43 : memref<2048xi32, #tpu.memory_space<hbm>>)
    %dma_wait3A_46 = arith.constant 0 : i32
    %dma_wait3A_47 = tpu.memref_slice %arg4[%add3A, %dma_wait3A_46] : memref<32x16xi32, #tpu.memory_space<hbm>> -> memref<1x16xi32, #tpu.memory_space<hbm>>
    %dma_wait3A_48 = tpu.memref_squeeze %dma_wait3A_47 : memref<1x16xi32, #tpu.memory_space<hbm>> -> memref<16xi32, #tpu.memory_space<hbm>>
    %dma_wait3A_49 = arith.constant 0 : i32
    %dma_wait3A_50 = tpu.memref_slice %arg4[%add3A, %dma_wait3A_49] : memref<32x16xi32, #tpu.memory_space<hbm>> -> memref<1x16xi32, #tpu.memory_space<hbm>>
    %dma_wait3A_51 = tpu.memref_squeeze %dma_wait3A_50 : memref<1x16xi32, #tpu.memory_space<hbm>> -> memref<16xi32, #tpu.memory_space<hbm>>
    tpu.wait_dma2 semaphore(%arg11 : memref<!tpu.dma_semaphore, #tpu.memory_space<semaphore_mem>>) src(%arg9 : memref<16xi32, #tpu.memory_space<vmem>>) dst(%dma_wait3A_51 : memref<16xi32, #tpu.memory_space<hbm>>)
    return
  }
}

module attributes {stable_mosaic.version = 14 : i64} {
  func.func @_assemble_body(%arg0: memref<65536x512xf32, #tpu.memory_space<any>>, %arg1: memref<16384x512xf32, #tpu.memory_space<any>>, %arg2: memref<4096x512xf32, #tpu.memory_space<any>>, %arg3: memref<86016x512xf32, #tpu.memory_space<any>>, %arg4: memref<16x512x512xf32, #tpu.memory_space<vmem>>, %arg5: memref<16x!tpu.dma_semaphore, #tpu.memory_space<semaphore_mem>>, %arg6: memref<16x!tpu.dma_semaphore, #tpu.memory_space<semaphore_mem>>) attributes {dimension_semantics = [], scalar_prefetch = 0 : i64, scratch_operands = 3 : i64, tpu.core_type = #tpu.core_type<tc>} {
    %scan3A = arith.constant 0 : i32
    %scan3A_0 = arith.constant 176 : i32
    %scan3A_1 = arith.addi %scan3A, %scan3A_0 : i32
    %scan3A_2 = arith.constant 1 : i32
    scf.for %scan3A_179 = %scan3A to %scan3A_1 step %scan3A_2  : i32 {
      %lt3A = arith.constant 168 : i32
      %lt3A_180 = arith.cmpi slt, %scan3A_179, %lt3A : i32
      %convert_element_type3A = arith.extui %lt3A_180 : i1 to i32
      %cond3A = arith.constant 0 : i32
      %cond3A_181 = arith.cmpi ne, %convert_element_type3A, %cond3A : i32
      scf.if %cond3A_181 {
        %rem3A = arith.constant 16 : i32
        %rem3A_189 = arith.remsi %scan3A_179, %rem3A : i32
        %ge3A_190 = arith.constant 16 : i32
        %ge3A_191 = arith.cmpi sge, %scan3A_179, %ge3A_190 : i32
        %convert_element_type3A_192 = arith.extui %ge3A_191 : i1 to i32
        %cond3A_193 = arith.constant 0 : i32
        %cond3A_194 = arith.cmpi ne, %convert_element_type3A_192, %cond3A_193 : i32
        scf.if %cond3A_194 {
          %dma_wait3A_213 = tpu.memref_slice %arg6[%rem3A_189] : memref<16x!tpu.dma_semaphore, #tpu.memory_space<semaphore_mem>> -> memref<1x!tpu.dma_semaphore, #tpu.memory_space<semaphore_mem>>
          %dma_wait3A_214 = tpu.memref_squeeze %dma_wait3A_213 : memref<1x!tpu.dma_semaphore, #tpu.memory_space<semaphore_mem>> -> memref<!tpu.dma_semaphore, #tpu.memory_space<semaphore_mem>>
          %dma_wait3A_215 = arith.constant 0 : i32
          %dma_wait3A_216 = arith.constant 0 : i32
          %dma_wait3A_217 = tpu.memref_slice %arg3[%dma_wait3A_215, %dma_wait3A_216] : memref<86016x512xf32, #tpu.memory_space<any>> -> memref<512x512xf32, #tpu.memory_space<any>>
          %dma_wait3A_218 = arith.constant 0 : i32
          %dma_wait3A_219 = arith.constant 0 : i32
          %dma_wait3A_220 = tpu.memref_slice %arg4[%rem3A_189, %dma_wait3A_218, %dma_wait3A_219] : memref<16x512x512xf32, #tpu.memory_space<vmem>> -> memref<1x512x512xf32, #tpu.memory_space<vmem>>
          %dma_wait3A_221 = tpu.memref_squeeze %dma_wait3A_220 : memref<1x512x512xf32, #tpu.memory_space<vmem>> -> memref<512x512xf32, #tpu.memory_space<vmem>>
          tpu.wait_dma2 semaphore(%dma_wait3A_214 : memref<!tpu.dma_semaphore, #tpu.memory_space<semaphore_mem>>) src(%dma_wait3A_221 : memref<512x512xf32, #tpu.memory_space<vmem>>) dst(%dma_wait3A_217 : memref<512x512xf32, #tpu.memory_space<any>>)
        } else {
        }
        %lt3A_195 = arith.constant 128 : i32
        %lt3A_196 = arith.cmpi slt, %scan3A_179, %lt3A_195 : i32
        %convert_element_type3A_197 = arith.extui %lt3A_196 : i1 to i32
        %cond3A_198 = arith.constant 0 : i32
        %cond3A_199 = arith.cmpi ne, %convert_element_type3A_197, %cond3A_198 : i32
        scf.if %cond3A_199 {
          %mul3A = arith.constant 512 : i32
          %mul3A_213 = arith.muli %scan3A_179, %mul3A : i32
          %dma_start3A = tpu.memref_slice %arg5[%rem3A_189] : memref<16x!tpu.dma_semaphore, #tpu.memory_space<semaphore_mem>> -> memref<1x!tpu.dma_semaphore, #tpu.memory_space<semaphore_mem>>
          %dma_start3A_214 = tpu.memref_squeeze %dma_start3A : memref<1x!tpu.dma_semaphore, #tpu.memory_space<semaphore_mem>> -> memref<!tpu.dma_semaphore, #tpu.memory_space<semaphore_mem>>
          %dma_start3A_215 = arith.constant 0 : i32
          %dma_start3A_216 = arith.constant 0 : i32
          %dma_start3A_217 = tpu.memref_slice %arg4[%rem3A_189, %dma_start3A_215, %dma_start3A_216] : memref<16x512x512xf32, #tpu.memory_space<vmem>> -> memref<1x512x512xf32, #tpu.memory_space<vmem>>
          %dma_start3A_218 = tpu.memref_squeeze %dma_start3A_217 : memref<1x512x512xf32, #tpu.memory_space<vmem>> -> memref<512x512xf32, #tpu.memory_space<vmem>>
          %dma_start3A_219 = arith.constant 0 : i32
          %dma_start3A_220 = tpu.memref_slice %arg0[%mul3A_213, %dma_start3A_219] : memref<65536x512xf32, #tpu.memory_space<any>> -> memref<512x512xf32, #tpu.memory_space<any>>
          tpu.enqueue_dma source(%dma_start3A_220 : memref<512x512xf32, #tpu.memory_space<any>>) target(%dma_start3A_218 : memref<512x512xf32, #tpu.memory_space<vmem>>) target_semaphore(%dma_start3A_214 : memref<!tpu.dma_semaphore, #tpu.memory_space<semaphore_mem>>)
        } else {
        }
        %ge3A_200 = arith.constant 128 : i32
        %ge3A_201 = arith.cmpi sge, %scan3A_179, %ge3A_200 : i32
        %lt3A_202 = arith.constant 160 : i32
        %lt3A_203 = arith.cmpi slt, %scan3A_179, %lt3A_202 : i32
        %and3A_204 = arith.andi %ge3A_201, %lt3A_203 : i1
        %convert_element_type3A_205 = arith.extui %and3A_204 : i1 to i32
        %cond3A_206 = arith.constant 0 : i32
        %cond3A_207 = arith.cmpi ne, %convert_element_type3A_205, %cond3A_206 : i32
        scf.if %cond3A_207 {
          %sub3A_213 = arith.constant 128 : i32
          %sub3A_214 = arith.subi %scan3A_179, %sub3A_213 : i32
          %mul3A = arith.constant 512 : i32
          %mul3A_215 = arith.muli %sub3A_214, %mul3A : i32
          %dma_start3A = tpu.memref_slice %arg5[%rem3A_189] : memref<16x!tpu.dma_semaphore, #tpu.memory_space<semaphore_mem>> -> memref<1x!tpu.dma_semaphore, #tpu.memory_space<semaphore_mem>>
          %dma_start3A_216 = tpu.memref_squeeze %dma_start3A : memref<1x!tpu.dma_semaphore, #tpu.memory_space<semaphore_mem>> -> memref<!tpu.dma_semaphore, #tpu.memory_space<semaphore_mem>>
          %dma_start3A_217 = arith.constant 0 : i32
          %dma_start3A_218 = arith.constant 0 : i32
          %dma_start3A_219 = tpu.memref_slice %arg4[%rem3A_189, %dma_start3A_217, %dma_start3A_218] : memref<16x512x512xf32, #tpu.memory_space<vmem>> -> memref<1x512x512xf32, #tpu.memory_space<vmem>>
          %dma_start3A_220 = tpu.memref_squeeze %dma_start3A_219 : memref<1x512x512xf32, #tpu.memory_space<vmem>> -> memref<512x512xf32, #tpu.memory_space<vmem>>
          %dma_start3A_221 = arith.constant 0 : i32
          %dma_start3A_222 = tpu.memref_slice %arg1[%mul3A_215, %dma_start3A_221] : memref<16384x512xf32, #tpu.memory_space<any>> -> memref<512x512xf32, #tpu.memory_space<any>>
          tpu.enqueue_dma source(%dma_start3A_222 : memref<512x512xf32, #tpu.memory_space<any>>) target(%dma_start3A_220 : memref<512x512xf32, #tpu.memory_space<vmem>>) target_semaphore(%dma_start3A_216 : memref<!tpu.dma_semaphore, #tpu.memory_space<semaphore_mem>>)
        } else {
        }
        %ge3A_208 = arith.constant 160 : i32
        %ge3A_209 = arith.cmpi sge, %scan3A_179, %ge3A_208 : i32
        %convert_element_type3A_210 = arith.extui %ge3A_209 : i1 to i32
        %cond3A_211 = arith.constant 0 : i32
        %cond3A_212 = arith.cmpi ne, %convert_element_type3A_210, %cond3A_211 : i32
        scf.if %cond3A_212 {
          %sub3A_213 = arith.constant 128 : i32
          %sub3A_214 = arith.subi %scan3A_179, %sub3A_213 : i32
          %sub3A_215 = arith.constant 32 : i32
          %sub3A_216 = arith.subi %sub3A_214, %sub3A_215 : i32
          %mul3A = arith.constant 512 : i32
          %mul3A_217 = arith.muli %sub3A_216, %mul3A : i32
          %dma_start3A = tpu.memref_slice %arg5[%rem3A_189] : memref<16x!tpu.dma_semaphore, #tpu.memory_space<semaphore_mem>> -> memref<1x!tpu.dma_semaphore, #tpu.memory_space<semaphore_mem>>
          %dma_start3A_218 = tpu.memref_squeeze %dma_start3A : memref<1x!tpu.dma_semaphore, #tpu.memory_space<semaphore_mem>> -> memref<!tpu.dma_semaphore, #tpu.memory_space<semaphore_mem>>
          %dma_start3A_219 = arith.constant 0 : i32
          %dma_start3A_220 = arith.constant 0 : i32
          %dma_start3A_221 = tpu.memref_slice %arg4[%rem3A_189, %dma_start3A_219, %dma_start3A_220] : memref<16x512x512xf32, #tpu.memory_space<vmem>> -> memref<1x512x512xf32, #tpu.memory_space<vmem>>
          %dma_start3A_222 = tpu.memref_squeeze %dma_start3A_221 : memref<1x512x512xf32, #tpu.memory_space<vmem>> -> memref<512x512xf32, #tpu.memory_space<vmem>>
          %dma_start3A_223 = arith.constant 0 : i32
          %dma_start3A_224 = tpu.memref_slice %arg2[%mul3A_217, %dma_start3A_223] : memref<4096x512xf32, #tpu.memory_space<any>> -> memref<512x512xf32, #tpu.memory_space<any>>
          tpu.enqueue_dma source(%dma_start3A_224 : memref<512x512xf32, #tpu.memory_space<any>>) target(%dma_start3A_222 : memref<512x512xf32, #tpu.memory_space<vmem>>) target_semaphore(%dma_start3A_218 : memref<!tpu.dma_semaphore, #tpu.memory_space<semaphore_mem>>)
        } else {
        }
      } else {
      }
      %sub3A = arith.constant 8 : i32
      %sub3A_182 = arith.subi %scan3A_179, %sub3A : i32
      %ge3A = arith.constant 0 : i32
      %ge3A_183 = arith.cmpi sge, %sub3A_182, %ge3A : i32
      %lt3A_184 = arith.constant 168 : i32
      %lt3A_185 = arith.cmpi slt, %sub3A_182, %lt3A_184 : i32
      %and3A = arith.andi %ge3A_183, %lt3A_185 : i1
      %convert_element_type3A_186 = arith.extui %and3A : i1 to i32
      %cond3A_187 = arith.constant 0 : i32
      %cond3A_188 = arith.cmpi ne, %convert_element_type3A_186, %cond3A_187 : i32
      scf.if %cond3A_188 {
        %rem3A = arith.constant 16 : i32
        %rem3A_189 = arith.remsi %sub3A_182, %rem3A : i32
        %dma_wait3A_190 = tpu.memref_slice %arg5[%rem3A_189] : memref<16x!tpu.dma_semaphore, #tpu.memory_space<semaphore_mem>> -> memref<1x!tpu.dma_semaphore, #tpu.memory_space<semaphore_mem>>
        %dma_wait3A_191 = tpu.memref_squeeze %dma_wait3A_190 : memref<1x!tpu.dma_semaphore, #tpu.memory_space<semaphore_mem>> -> memref<!tpu.dma_semaphore, #tpu.memory_space<semaphore_mem>>
        %dma_wait3A_192 = arith.constant 0 : i32
        %dma_wait3A_193 = arith.constant 0 : i32
        %dma_wait3A_194 = tpu.memref_slice %arg3[%dma_wait3A_192, %dma_wait3A_193] : memref<86016x512xf32, #tpu.memory_space<any>> -> memref<512x512xf32, #tpu.memory_space<any>>
        %dma_wait3A_195 = arith.constant 0 : i32
        %dma_wait3A_196 = arith.constant 0 : i32
        %dma_wait3A_197 = tpu.memref_slice %arg4[%rem3A_189, %dma_wait3A_195, %dma_wait3A_196] : memref<16x512x512xf32, #tpu.memory_space<vmem>> -> memref<1x512x512xf32, #tpu.memory_space<vmem>>
        %dma_wait3A_198 = tpu.memref_squeeze %dma_wait3A_197 : memref<1x512x512xf32, #tpu.memory_space<vmem>> -> memref<512x512xf32, #tpu.memory_space<vmem>>
        tpu.wait_dma2 semaphore(%dma_wait3A_191 : memref<!tpu.dma_semaphore, #tpu.memory_space<semaphore_mem>>) src(%dma_wait3A_198 : memref<512x512xf32, #tpu.memory_space<vmem>>) dst(%dma_wait3A_194 : memref<512x512xf32, #tpu.memory_space<any>>)
        %mul3A = arith.constant 512 : i32
        %mul3A_199 = arith.muli %sub3A_182, %mul3A : i32
        %dma_start3A = tpu.memref_slice %arg6[%rem3A_189] : memref<16x!tpu.dma_semaphore, #tpu.memory_space<semaphore_mem>> -> memref<1x!tpu.dma_semaphore, #tpu.memory_space<semaphore_mem>>
        %dma_start3A_200 = tpu.memref_squeeze %dma_start3A : memref<1x!tpu.dma_semaphore, #tpu.memory_space<semaphore_mem>> -> memref<!tpu.dma_semaphore, #tpu.memory_space<semaphore_mem>>
        %dma_start3A_201 = arith.constant 0 : i32
        %dma_start3A_202 = tpu.memref_slice %arg3[%mul3A_199, %dma_start3A_201] : memref<86016x512xf32, #tpu.memory_space<any>> -> memref<512x512xf32, #tpu.memory_space<any>>
        %dma_start3A_203 = arith.constant 0 : i32
        %dma_start3A_204 = arith.constant 0 : i32
        %dma_start3A_205 = tpu.memref_slice %arg4[%rem3A_189, %dma_start3A_203, %dma_start3A_204] : memref<16x512x512xf32, #tpu.memory_space<vmem>> -> memref<1x512x512xf32, #tpu.memory_space<vmem>>
        %dma_start3A_206 = tpu.memref_squeeze %dma_start3A_205 : memref<1x512x512xf32, #tpu.memory_space<vmem>> -> memref<512x512xf32, #tpu.memory_space<vmem>>
        tpu.enqueue_dma source(%dma_start3A_206 : memref<512x512xf32, #tpu.memory_space<vmem>>) target(%dma_start3A_202 : memref<512x512xf32, #tpu.memory_space<any>>) target_semaphore(%dma_start3A_200 : memref<!tpu.dma_semaphore, #tpu.memory_space<semaphore_mem>>)
      } else {
      }
    }
    %scan3A_3 = arith.constant 176 : i32
    %dma_wait3A = arith.constant 0 : i32
    %dma_wait3A_4 = arith.constant 0 : i32
    %dma_wait3A_5 = tpu.memref_slice %arg6[%dma_wait3A_4] : memref<16x!tpu.dma_semaphore, #tpu.memory_space<semaphore_mem>> -> memref<1x!tpu.dma_semaphore, #tpu.memory_space<semaphore_mem>>
    %dma_wait3A_6 = tpu.memref_squeeze %dma_wait3A_5 : memref<1x!tpu.dma_semaphore, #tpu.memory_space<semaphore_mem>> -> memref<!tpu.dma_semaphore, #tpu.memory_space<semaphore_mem>>
    %dma_wait3A_7 = arith.constant 0 : i32
    %dma_wait3A_8 = arith.constant 0 : i32
    %dma_wait3A_9 = tpu.memref_slice %arg3[%dma_wait3A_7, %dma_wait3A_8] : memref<86016x512xf32, #tpu.memory_space<any>> -> memref<512x512xf32, #tpu.memory_space<any>>
    %dma_wait3A_10 = arith.constant 0 : i32
    %dma_wait3A_11 = arith.constant 0 : i32
    %dma_wait3A_12 = tpu.memref_slice %arg4[%dma_wait3A, %dma_wait3A_10, %dma_wait3A_11] : memref<16x512x512xf32, #tpu.memory_space<vmem>> -> memref<1x512x512xf32, #tpu.memory_space<vmem>>
    %dma_wait3A_13 = tpu.memref_squeeze %dma_wait3A_12 : memref<1x512x512xf32, #tpu.memory_space<vmem>> -> memref<512x512xf32, #tpu.memory_space<vmem>>
    tpu.wait_dma2 semaphore(%dma_wait3A_6 : memref<!tpu.dma_semaphore, #tpu.memory_space<semaphore_mem>>) src(%dma_wait3A_13 : memref<512x512xf32, #tpu.memory_space<vmem>>) dst(%dma_wait3A_9 : memref<512x512xf32, #tpu.memory_space<any>>)
    %dma_wait3A_14 = arith.constant 1 : i32
    %dma_wait3A_15 = arith.constant 1 : i32
    %dma_wait3A_16 = tpu.memref_slice %arg6[%dma_wait3A_15] : memref<16x!tpu.dma_semaphore, #tpu.memory_space<semaphore_mem>> -> memref<1x!tpu.dma_semaphore, #tpu.memory_space<semaphore_mem>>
    %dma_wait3A_17 = tpu.memref_squeeze %dma_wait3A_16 : memref<1x!tpu.dma_semaphore, #tpu.memory_space<semaphore_mem>> -> memref<!tpu.dma_semaphore, #tpu.memory_space<semaphore_mem>>
    %dma_wait3A_18 = arith.constant 0 : i32
    %dma_wait3A_19 = arith.constant 0 : i32
    %dma_wait3A_20 = tpu.memref_slice %arg3[%dma_wait3A_18, %dma_wait3A_19] : memref<86016x512xf32, #tpu.memory_space<any>> -> memref<512x512xf32, #tpu.memory_space<any>>
    %dma_wait3A_21 = arith.constant 0 : i32
    %dma_wait3A_22 = arith.constant 0 : i32
    %dma_wait3A_23 = tpu.memref_slice %arg4[%dma_wait3A_14, %dma_wait3A_21, %dma_wait3A_22] : memref<16x512x512xf32, #tpu.memory_space<vmem>> -> memref<1x512x512xf32, #tpu.memory_space<vmem>>
    %dma_wait3A_24 = tpu.memref_squeeze %dma_wait3A_23 : memref<1x512x512xf32, #tpu.memory_space<vmem>> -> memref<512x512xf32, #tpu.memory_space<vmem>>
    tpu.wait_dma2 semaphore(%dma_wait3A_17 : memref<!tpu.dma_semaphore, #tpu.memory_space<semaphore_mem>>) src(%dma_wait3A_24 : memref<512x512xf32, #tpu.memory_space<vmem>>) dst(%dma_wait3A_20 : memref<512x512xf32, #tpu.memory_space<any>>)
    %dma_wait3A_25 = arith.constant 2 : i32
    %dma_wait3A_26 = arith.constant 2 : i32
    %dma_wait3A_27 = tpu.memref_slice %arg6[%dma_wait3A_26] : memref<16x!tpu.dma_semaphore, #tpu.memory_space<semaphore_mem>> -> memref<1x!tpu.dma_semaphore, #tpu.memory_space<semaphore_mem>>
    %dma_wait3A_28 = tpu.memref_squeeze %dma_wait3A_27 : memref<1x!tpu.dma_semaphore, #tpu.memory_space<semaphore_mem>> -> memref<!tpu.dma_semaphore, #tpu.memory_space<semaphore_mem>>
    %dma_wait3A_29 = arith.constant 0 : i32
    %dma_wait3A_30 = arith.constant 0 : i32
    %dma_wait3A_31 = tpu.memref_slice %arg3[%dma_wait3A_29, %dma_wait3A_30] : memref<86016x512xf32, #tpu.memory_space<any>> -> memref<512x512xf32, #tpu.memory_space<any>>
    %dma_wait3A_32 = arith.constant 0 : i32
    %dma_wait3A_33 = arith.constant 0 : i32
    %dma_wait3A_34 = tpu.memref_slice %arg4[%dma_wait3A_25, %dma_wait3A_32, %dma_wait3A_33] : memref<16x512x512xf32, #tpu.memory_space<vmem>> -> memref<1x512x512xf32, #tpu.memory_space<vmem>>
    %dma_wait3A_35 = tpu.memref_squeeze %dma_wait3A_34 : memref<1x512x512xf32, #tpu.memory_space<vmem>> -> memref<512x512xf32, #tpu.memory_space<vmem>>
    tpu.wait_dma2 semaphore(%dma_wait3A_28 : memref<!tpu.dma_semaphore, #tpu.memory_space<semaphore_mem>>) src(%dma_wait3A_35 : memref<512x512xf32, #tpu.memory_space<vmem>>) dst(%dma_wait3A_31 : memref<512x512xf32, #tpu.memory_space<any>>)
    %dma_wait3A_36 = arith.constant 3 : i32
    %dma_wait3A_37 = arith.constant 3 : i32
    %dma_wait3A_38 = tpu.memref_slice %arg6[%dma_wait3A_37] : memref<16x!tpu.dma_semaphore, #tpu.memory_space<semaphore_mem>> -> memref<1x!tpu.dma_semaphore, #tpu.memory_space<semaphore_mem>>
    %dma_wait3A_39 = tpu.memref_squeeze %dma_wait3A_38 : memref<1x!tpu.dma_semaphore, #tpu.memory_space<semaphore_mem>> -> memref<!tpu.dma_semaphore, #tpu.memory_space<semaphore_mem>>
    %dma_wait3A_40 = arith.constant 0 : i32
    %dma_wait3A_41 = arith.constant 0 : i32
    %dma_wait3A_42 = tpu.memref_slice %arg3[%dma_wait3A_40, %dma_wait3A_41] : memref<86016x512xf32, #tpu.memory_space<any>> -> memref<512x512xf32, #tpu.memory_space<any>>
    %dma_wait3A_43 = arith.constant 0 : i32
    %dma_wait3A_44 = arith.constant 0 : i32
    %dma_wait3A_45 = tpu.memref_slice %arg4[%dma_wait3A_36, %dma_wait3A_43, %dma_wait3A_44] : memref<16x512x512xf32, #tpu.memory_space<vmem>> -> memref<1x512x512xf32, #tpu.memory_space<vmem>>
    %dma_wait3A_46 = tpu.memref_squeeze %dma_wait3A_45 : memref<1x512x512xf32, #tpu.memory_space<vmem>> -> memref<512x512xf32, #tpu.memory_space<vmem>>
    tpu.wait_dma2 semaphore(%dma_wait3A_39 : memref<!tpu.dma_semaphore, #tpu.memory_space<semaphore_mem>>) src(%dma_wait3A_46 : memref<512x512xf32, #tpu.memory_space<vmem>>) dst(%dma_wait3A_42 : memref<512x512xf32, #tpu.memory_space<any>>)
    %dma_wait3A_47 = arith.constant 4 : i32
    %dma_wait3A_48 = arith.constant 4 : i32
    %dma_wait3A_49 = tpu.memref_slice %arg6[%dma_wait3A_48] : memref<16x!tpu.dma_semaphore, #tpu.memory_space<semaphore_mem>> -> memref<1x!tpu.dma_semaphore, #tpu.memory_space<semaphore_mem>>
    %dma_wait3A_50 = tpu.memref_squeeze %dma_wait3A_49 : memref<1x!tpu.dma_semaphore, #tpu.memory_space<semaphore_mem>> -> memref<!tpu.dma_semaphore, #tpu.memory_space<semaphore_mem>>
    %dma_wait3A_51 = arith.constant 0 : i32
    %dma_wait3A_52 = arith.constant 0 : i32
    %dma_wait3A_53 = tpu.memref_slice %arg3[%dma_wait3A_51, %dma_wait3A_52] : memref<86016x512xf32, #tpu.memory_space<any>> -> memref<512x512xf32, #tpu.memory_space<any>>
    %dma_wait3A_54 = arith.constant 0 : i32
    %dma_wait3A_55 = arith.constant 0 : i32
    %dma_wait3A_56 = tpu.memref_slice %arg4[%dma_wait3A_47, %dma_wait3A_54, %dma_wait3A_55] : memref<16x512x512xf32, #tpu.memory_space<vmem>> -> memref<1x512x512xf32, #tpu.memory_space<vmem>>
    %dma_wait3A_57 = tpu.memref_squeeze %dma_wait3A_56 : memref<1x512x512xf32, #tpu.memory_space<vmem>> -> memref<512x512xf32, #tpu.memory_space<vmem>>
    tpu.wait_dma2 semaphore(%dma_wait3A_50 : memref<!tpu.dma_semaphore, #tpu.memory_space<semaphore_mem>>) src(%dma_wait3A_57 : memref<512x512xf32, #tpu.memory_space<vmem>>) dst(%dma_wait3A_53 : memref<512x512xf32, #tpu.memory_space<any>>)
    %dma_wait3A_58 = arith.constant 5 : i32
    %dma_wait3A_59 = arith.constant 5 : i32
    %dma_wait3A_60 = tpu.memref_slice %arg6[%dma_wait3A_59] : memref<16x!tpu.dma_semaphore, #tpu.memory_space<semaphore_mem>> -> memref<1x!tpu.dma_semaphore, #tpu.memory_space<semaphore_mem>>
    %dma_wait3A_61 = tpu.memref_squeeze %dma_wait3A_60 : memref<1x!tpu.dma_semaphore, #tpu.memory_space<semaphore_mem>> -> memref<!tpu.dma_semaphore, #tpu.memory_space<semaphore_mem>>
    %dma_wait3A_62 = arith.constant 0 : i32
    %dma_wait3A_63 = arith.constant 0 : i32
    %dma_wait3A_64 = tpu.memref_slice %arg3[%dma_wait3A_62, %dma_wait3A_63] : memref<86016x512xf32, #tpu.memory_space<any>> -> memref<512x512xf32, #tpu.memory_space<any>>
    %dma_wait3A_65 = arith.constant 0 : i32
    %dma_wait3A_66 = arith.constant 0 : i32
    %dma_wait3A_67 = tpu.memref_slice %arg4[%dma_wait3A_58, %dma_wait3A_65, %dma_wait3A_66] : memref<16x512x512xf32, #tpu.memory_space<vmem>> -> memref<1x512x512xf32, #tpu.memory_space<vmem>>
    %dma_wait3A_68 = tpu.memref_squeeze %dma_wait3A_67 : memref<1x512x512xf32, #tpu.memory_space<vmem>> -> memref<512x512xf32, #tpu.memory_space<vmem>>
    tpu.wait_dma2 semaphore(%dma_wait3A_61 : memref<!tpu.dma_semaphore, #tpu.memory_space<semaphore_mem>>) src(%dma_wait3A_68 : memref<512x512xf32, #tpu.memory_space<vmem>>) dst(%dma_wait3A_64 : memref<512x512xf32, #tpu.memory_space<any>>)
    %dma_wait3A_69 = arith.constant 6 : i32
    %dma_wait3A_70 = arith.constant 6 : i32
    %dma_wait3A_71 = tpu.memref_slice %arg6[%dma_wait3A_70] : memref<16x!tpu.dma_semaphore, #tpu.memory_space<semaphore_mem>> -> memref<1x!tpu.dma_semaphore, #tpu.memory_space<semaphore_mem>>
    %dma_wait3A_72 = tpu.memref_squeeze %dma_wait3A_71 : memref<1x!tpu.dma_semaphore, #tpu.memory_space<semaphore_mem>> -> memref<!tpu.dma_semaphore, #tpu.memory_space<semaphore_mem>>
    %dma_wait3A_73 = arith.constant 0 : i32
    %dma_wait3A_74 = arith.constant 0 : i32
    %dma_wait3A_75 = tpu.memref_slice %arg3[%dma_wait3A_73, %dma_wait3A_74] : memref<86016x512xf32, #tpu.memory_space<any>> -> memref<512x512xf32, #tpu.memory_space<any>>
    %dma_wait3A_76 = arith.constant 0 : i32
    %dma_wait3A_77 = arith.constant 0 : i32
    %dma_wait3A_78 = tpu.memref_slice %arg4[%dma_wait3A_69, %dma_wait3A_76, %dma_wait3A_77] : memref<16x512x512xf32, #tpu.memory_space<vmem>> -> memref<1x512x512xf32, #tpu.memory_space<vmem>>
    %dma_wait3A_79 = tpu.memref_squeeze %dma_wait3A_78 : memref<1x512x512xf32, #tpu.memory_space<vmem>> -> memref<512x512xf32, #tpu.memory_space<vmem>>
    tpu.wait_dma2 semaphore(%dma_wait3A_72 : memref<!tpu.dma_semaphore, #tpu.memory_space<semaphore_mem>>) src(%dma_wait3A_79 : memref<512x512xf32, #tpu.memory_space<vmem>>) dst(%dma_wait3A_75 : memref<512x512xf32, #tpu.memory_space<any>>)
    %dma_wait3A_80 = arith.constant 7 : i32
    %dma_wait3A_81 = arith.constant 7 : i32
    %dma_wait3A_82 = tpu.memref_slice %arg6[%dma_wait3A_81] : memref<16x!tpu.dma_semaphore, #tpu.memory_space<semaphore_mem>> -> memref<1x!tpu.dma_semaphore, #tpu.memory_space<semaphore_mem>>
    %dma_wait3A_83 = tpu.memref_squeeze %dma_wait3A_82 : memref<1x!tpu.dma_semaphore, #tpu.memory_space<semaphore_mem>> -> memref<!tpu.dma_semaphore, #tpu.memory_space<semaphore_mem>>
    %dma_wait3A_84 = arith.constant 0 : i32
    %dma_wait3A_85 = arith.constant 0 : i32
    %dma_wait3A_86 = tpu.memref_slice %arg3[%dma_wait3A_84, %dma_wait3A_85] : memref<86016x512xf32, #tpu.memory_space<any>> -> memref<512x512xf32, #tpu.memory_space<any>>
    %dma_wait3A_87 = arith.constant 0 : i32
    %dma_wait3A_88 = arith.constant 0 : i32
    %dma_wait3A_89 = tpu.memref_slice %arg4[%dma_wait3A_80, %dma_wait3A_87, %dma_wait3A_88] : memref<16x512x512xf32, #tpu.memory_space<vmem>> -> memref<1x512x512xf32, #tpu.memory_space<vmem>>
    %dma_wait3A_90 = tpu.memref_squeeze %dma_wait3A_89 : memref<1x512x512xf32, #tpu.memory_space<vmem>> -> memref<512x512xf32, #tpu.memory_space<vmem>>
    tpu.wait_dma2 semaphore(%dma_wait3A_83 : memref<!tpu.dma_semaphore, #tpu.memory_space<semaphore_mem>>) src(%dma_wait3A_90 : memref<512x512xf32, #tpu.memory_space<vmem>>) dst(%dma_wait3A_86 : memref<512x512xf32, #tpu.memory_space<any>>)
    %dma_wait3A_91 = arith.constant 8 : i32
    %dma_wait3A_92 = arith.constant 8 : i32
    %dma_wait3A_93 = tpu.memref_slice %arg6[%dma_wait3A_92] : memref<16x!tpu.dma_semaphore, #tpu.memory_space<semaphore_mem>> -> memref<1x!tpu.dma_semaphore, #tpu.memory_space<semaphore_mem>>
    %dma_wait3A_94 = tpu.memref_squeeze %dma_wait3A_93 : memref<1x!tpu.dma_semaphore, #tpu.memory_space<semaphore_mem>> -> memref<!tpu.dma_semaphore, #tpu.memory_space<semaphore_mem>>
    %dma_wait3A_95 = arith.constant 0 : i32
    %dma_wait3A_96 = arith.constant 0 : i32
    %dma_wait3A_97 = tpu.memref_slice %arg3[%dma_wait3A_95, %dma_wait3A_96] : memref<86016x512xf32, #tpu.memory_space<any>> -> memref<512x512xf32, #tpu.memory_space<any>>
    %dma_wait3A_98 = arith.constant 0 : i32
    %dma_wait3A_99 = arith.constant 0 : i32
    %dma_wait3A_100 = tpu.memref_slice %arg4[%dma_wait3A_91, %dma_wait3A_98, %dma_wait3A_99] : memref<16x512x512xf32, #tpu.memory_space<vmem>> -> memref<1x512x512xf32, #tpu.memory_space<vmem>>
    %dma_wait3A_101 = tpu.memref_squeeze %dma_wait3A_100 : memref<1x512x512xf32, #tpu.memory_space<vmem>> -> memref<512x512xf32, #tpu.memory_space<vmem>>
    tpu.wait_dma2 semaphore(%dma_wait3A_94 : memref<!tpu.dma_semaphore, #tpu.memory_space<semaphore_mem>>) src(%dma_wait3A_101 : memref<512x512xf32, #tpu.memory_space<vmem>>) dst(%dma_wait3A_97 : memref<512x512xf32, #tpu.memory_space<any>>)
    %dma_wait3A_102 = arith.constant 9 : i32
    %dma_wait3A_103 = arith.constant 9 : i32
    %dma_wait3A_104 = tpu.memref_slice %arg6[%dma_wait3A_103] : memref<16x!tpu.dma_semaphore, #tpu.memory_space<semaphore_mem>> -> memref<1x!tpu.dma_semaphore, #tpu.memory_space<semaphore_mem>>
    %dma_wait3A_105 = tpu.memref_squeeze %dma_wait3A_104 : memref<1x!tpu.dma_semaphore, #tpu.memory_space<semaphore_mem>> -> memref<!tpu.dma_semaphore, #tpu.memory_space<semaphore_mem>>
    %dma_wait3A_106 = arith.constant 0 : i32
    %dma_wait3A_107 = arith.constant 0 : i32
    %dma_wait3A_108 = tpu.memref_slice %arg3[%dma_wait3A_106, %dma_wait3A_107] : memref<86016x512xf32, #tpu.memory_space<any>> -> memref<512x512xf32, #tpu.memory_space<any>>
    %dma_wait3A_109 = arith.constant 0 : i32
    %dma_wait3A_110 = arith.constant 0 : i32
    %dma_wait3A_111 = tpu.memref_slice %arg4[%dma_wait3A_102, %dma_wait3A_109, %dma_wait3A_110] : memref<16x512x512xf32, #tpu.memory_space<vmem>> -> memref<1x512x512xf32, #tpu.memory_space<vmem>>
    %dma_wait3A_112 = tpu.memref_squeeze %dma_wait3A_111 : memref<1x512x512xf32, #tpu.memory_space<vmem>> -> memref<512x512xf32, #tpu.memory_space<vmem>>
    tpu.wait_dma2 semaphore(%dma_wait3A_105 : memref<!tpu.dma_semaphore, #tpu.memory_space<semaphore_mem>>) src(%dma_wait3A_112 : memref<512x512xf32, #tpu.memory_space<vmem>>) dst(%dma_wait3A_108 : memref<512x512xf32, #tpu.memory_space<any>>)
    %dma_wait3A_113 = arith.constant 10 : i32
    %dma_wait3A_114 = arith.constant 10 : i32
    %dma_wait3A_115 = tpu.memref_slice %arg6[%dma_wait3A_114] : memref<16x!tpu.dma_semaphore, #tpu.memory_space<semaphore_mem>> -> memref<1x!tpu.dma_semaphore, #tpu.memory_space<semaphore_mem>>
    %dma_wait3A_116 = tpu.memref_squeeze %dma_wait3A_115 : memref<1x!tpu.dma_semaphore, #tpu.memory_space<semaphore_mem>> -> memref<!tpu.dma_semaphore, #tpu.memory_space<semaphore_mem>>
    %dma_wait3A_117 = arith.constant 0 : i32
    %dma_wait3A_118 = arith.constant 0 : i32
    %dma_wait3A_119 = tpu.memref_slice %arg3[%dma_wait3A_117, %dma_wait3A_118] : memref<86016x512xf32, #tpu.memory_space<any>> -> memref<512x512xf32, #tpu.memory_space<any>>
    %dma_wait3A_120 = arith.constant 0 : i32
    %dma_wait3A_121 = arith.constant 0 : i32
    %dma_wait3A_122 = tpu.memref_slice %arg4[%dma_wait3A_113, %dma_wait3A_120, %dma_wait3A_121] : memref<16x512x512xf32, #tpu.memory_space<vmem>> -> memref<1x512x512xf32, #tpu.memory_space<vmem>>
    %dma_wait3A_123 = tpu.memref_squeeze %dma_wait3A_122 : memref<1x512x512xf32, #tpu.memory_space<vmem>> -> memref<512x512xf32, #tpu.memory_space<vmem>>
    tpu.wait_dma2 semaphore(%dma_wait3A_116 : memref<!tpu.dma_semaphore, #tpu.memory_space<semaphore_mem>>) src(%dma_wait3A_123 : memref<512x512xf32, #tpu.memory_space<vmem>>) dst(%dma_wait3A_119 : memref<512x512xf32, #tpu.memory_space<any>>)
    %dma_wait3A_124 = arith.constant 11 : i32
    %dma_wait3A_125 = arith.constant 11 : i32
    %dma_wait3A_126 = tpu.memref_slice %arg6[%dma_wait3A_125] : memref<16x!tpu.dma_semaphore, #tpu.memory_space<semaphore_mem>> -> memref<1x!tpu.dma_semaphore, #tpu.memory_space<semaphore_mem>>
    %dma_wait3A_127 = tpu.memref_squeeze %dma_wait3A_126 : memref<1x!tpu.dma_semaphore, #tpu.memory_space<semaphore_mem>> -> memref<!tpu.dma_semaphore, #tpu.memory_space<semaphore_mem>>
    %dma_wait3A_128 = arith.constant 0 : i32
    %dma_wait3A_129 = arith.constant 0 : i32
    %dma_wait3A_130 = tpu.memref_slice %arg3[%dma_wait3A_128, %dma_wait3A_129] : memref<86016x512xf32, #tpu.memory_space<any>> -> memref<512x512xf32, #tpu.memory_space<any>>
    %dma_wait3A_131 = arith.constant 0 : i32
    %dma_wait3A_132 = arith.constant 0 : i32
    %dma_wait3A_133 = tpu.memref_slice %arg4[%dma_wait3A_124, %dma_wait3A_131, %dma_wait3A_132] : memref<16x512x512xf32, #tpu.memory_space<vmem>> -> memref<1x512x512xf32, #tpu.memory_space<vmem>>
    %dma_wait3A_134 = tpu.memref_squeeze %dma_wait3A_133 : memref<1x512x512xf32, #tpu.memory_space<vmem>> -> memref<512x512xf32, #tpu.memory_space<vmem>>
    tpu.wait_dma2 semaphore(%dma_wait3A_127 : memref<!tpu.dma_semaphore, #tpu.memory_space<semaphore_mem>>) src(%dma_wait3A_134 : memref<512x512xf32, #tpu.memory_space<vmem>>) dst(%dma_wait3A_130 : memref<512x512xf32, #tpu.memory_space<any>>)
    %dma_wait3A_135 = arith.constant 12 : i32
    %dma_wait3A_136 = arith.constant 12 : i32
    %dma_wait3A_137 = tpu.memref_slice %arg6[%dma_wait3A_136] : memref<16x!tpu.dma_semaphore, #tpu.memory_space<semaphore_mem>> -> memref<1x!tpu.dma_semaphore, #tpu.memory_space<semaphore_mem>>
    %dma_wait3A_138 = tpu.memref_squeeze %dma_wait3A_137 : memref<1x!tpu.dma_semaphore, #tpu.memory_space<semaphore_mem>> -> memref<!tpu.dma_semaphore, #tpu.memory_space<semaphore_mem>>
    %dma_wait3A_139 = arith.constant 0 : i32
    %dma_wait3A_140 = arith.constant 0 : i32
    %dma_wait3A_141 = tpu.memref_slice %arg3[%dma_wait3A_139, %dma_wait3A_140] : memref<86016x512xf32, #tpu.memory_space<any>> -> memref<512x512xf32, #tpu.memory_space<any>>
    %dma_wait3A_142 = arith.constant 0 : i32
    %dma_wait3A_143 = arith.constant 0 : i32
    %dma_wait3A_144 = tpu.memref_slice %arg4[%dma_wait3A_135, %dma_wait3A_142, %dma_wait3A_143] : memref<16x512x512xf32, #tpu.memory_space<vmem>> -> memref<1x512x512xf32, #tpu.memory_space<vmem>>
    %dma_wait3A_145 = tpu.memref_squeeze %dma_wait3A_144 : memref<1x512x512xf32, #tpu.memory_space<vmem>> -> memref<512x512xf32, #tpu.memory_space<vmem>>
    tpu.wait_dma2 semaphore(%dma_wait3A_138 : memref<!tpu.dma_semaphore, #tpu.memory_space<semaphore_mem>>) src(%dma_wait3A_145 : memref<512x512xf32, #tpu.memory_space<vmem>>) dst(%dma_wait3A_141 : memref<512x512xf32, #tpu.memory_space<any>>)
    %dma_wait3A_146 = arith.constant 13 : i32
    %dma_wait3A_147 = arith.constant 13 : i32
    %dma_wait3A_148 = tpu.memref_slice %arg6[%dma_wait3A_147] : memref<16x!tpu.dma_semaphore, #tpu.memory_space<semaphore_mem>> -> memref<1x!tpu.dma_semaphore, #tpu.memory_space<semaphore_mem>>
    %dma_wait3A_149 = tpu.memref_squeeze %dma_wait3A_148 : memref<1x!tpu.dma_semaphore, #tpu.memory_space<semaphore_mem>> -> memref<!tpu.dma_semaphore, #tpu.memory_space<semaphore_mem>>
    %dma_wait3A_150 = arith.constant 0 : i32
    %dma_wait3A_151 = arith.constant 0 : i32
    %dma_wait3A_152 = tpu.memref_slice %arg3[%dma_wait3A_150, %dma_wait3A_151] : memref<86016x512xf32, #tpu.memory_space<any>> -> memref<512x512xf32, #tpu.memory_space<any>>
    %dma_wait3A_153 = arith.constant 0 : i32
    %dma_wait3A_154 = arith.constant 0 : i32
    %dma_wait3A_155 = tpu.memref_slice %arg4[%dma_wait3A_146, %dma_wait3A_153, %dma_wait3A_154] : memref<16x512x512xf32, #tpu.memory_space<vmem>> -> memref<1x512x512xf32, #tpu.memory_space<vmem>>
    %dma_wait3A_156 = tpu.memref_squeeze %dma_wait3A_155 : memref<1x512x512xf32, #tpu.memory_space<vmem>> -> memref<512x512xf32, #tpu.memory_space<vmem>>
    tpu.wait_dma2 semaphore(%dma_wait3A_149 : memref<!tpu.dma_semaphore, #tpu.memory_space<semaphore_mem>>) src(%dma_wait3A_156 : memref<512x512xf32, #tpu.memory_space<vmem>>) dst(%dma_wait3A_152 : memref<512x512xf32, #tpu.memory_space<any>>)
    %dma_wait3A_157 = arith.constant 14 : i32
    %dma_wait3A_158 = arith.constant 14 : i32
    %dma_wait3A_159 = tpu.memref_slice %arg6[%dma_wait3A_158] : memref<16x!tpu.dma_semaphore, #tpu.memory_space<semaphore_mem>> -> memref<1x!tpu.dma_semaphore, #tpu.memory_space<semaphore_mem>>
    %dma_wait3A_160 = tpu.memref_squeeze %dma_wait3A_159 : memref<1x!tpu.dma_semaphore, #tpu.memory_space<semaphore_mem>> -> memref<!tpu.dma_semaphore, #tpu.memory_space<semaphore_mem>>
    %dma_wait3A_161 = arith.constant 0 : i32
    %dma_wait3A_162 = arith.constant 0 : i32
    %dma_wait3A_163 = tpu.memref_slice %arg3[%dma_wait3A_161, %dma_wait3A_162] : memref<86016x512xf32, #tpu.memory_space<any>> -> memref<512x512xf32, #tpu.memory_space<any>>
    %dma_wait3A_164 = arith.constant 0 : i32
    %dma_wait3A_165 = arith.constant 0 : i32
    %dma_wait3A_166 = tpu.memref_slice %arg4[%dma_wait3A_157, %dma_wait3A_164, %dma_wait3A_165] : memref<16x512x512xf32, #tpu.memory_space<vmem>> -> memref<1x512x512xf32, #tpu.memory_space<vmem>>
    %dma_wait3A_167 = tpu.memref_squeeze %dma_wait3A_166 : memref<1x512x512xf32, #tpu.memory_space<vmem>> -> memref<512x512xf32, #tpu.memory_space<vmem>>
    tpu.wait_dma2 semaphore(%dma_wait3A_160 : memref<!tpu.dma_semaphore, #tpu.memory_space<semaphore_mem>>) src(%dma_wait3A_167 : memref<512x512xf32, #tpu.memory_space<vmem>>) dst(%dma_wait3A_163 : memref<512x512xf32, #tpu.memory_space<any>>)
    %dma_wait3A_168 = arith.constant 15 : i32
    %dma_wait3A_169 = arith.constant 15 : i32
    %dma_wait3A_170 = tpu.memref_slice %arg6[%dma_wait3A_169] : memref<16x!tpu.dma_semaphore, #tpu.memory_space<semaphore_mem>> -> memref<1x!tpu.dma_semaphore, #tpu.memory_space<semaphore_mem>>
    %dma_wait3A_171 = tpu.memref_squeeze %dma_wait3A_170 : memref<1x!tpu.dma_semaphore, #tpu.memory_space<semaphore_mem>> -> memref<!tpu.dma_semaphore, #tpu.memory_space<semaphore_mem>>
    %dma_wait3A_172 = arith.constant 0 : i32
    %dma_wait3A_173 = arith.constant 0 : i32
    %dma_wait3A_174 = tpu.memref_slice %arg3[%dma_wait3A_172, %dma_wait3A_173] : memref<86016x512xf32, #tpu.memory_space<any>> -> memref<512x512xf32, #tpu.memory_space<any>>
    %dma_wait3A_175 = arith.constant 0 : i32
    %dma_wait3A_176 = arith.constant 0 : i32
    %dma_wait3A_177 = tpu.memref_slice %arg4[%dma_wait3A_168, %dma_wait3A_175, %dma_wait3A_176] : memref<16x512x512xf32, #tpu.memory_space<vmem>> -> memref<1x512x512xf32, #tpu.memory_space<vmem>>
    %dma_wait3A_178 = tpu.memref_squeeze %dma_wait3A_177 : memref<1x512x512xf32, #tpu.memory_space<vmem>> -> memref<512x512xf32, #tpu.memory_space<vmem>>
    tpu.wait_dma2 semaphore(%dma_wait3A_171 : memref<!tpu.dma_semaphore, #tpu.memory_space<semaphore_mem>>) src(%dma_wait3A_178 : memref<512x512xf32, #tpu.memory_space<vmem>>) dst(%dma_wait3A_174 : memref<512x512xf32, #tpu.memory_space<any>>)
    return
  }
}

</mosaic_0001>

<sc_bundles>
// kernel: sc_scatter_emit.3.cloned.1.call-start
scs
__scs_entry_jumppad:
0x0: {  	(pc) =	sbr.rel $0x88, $3  }
0x1: {  	(tag) =	ssettag $0x0;
	lr =	simm.s32 $0x1  }
0x2: {  	[smem:$0x3F9C] =	sst lr;
	_ =	strace $0xD0000000  }
0x3: {  	_ = 	snop  }
0x4: {  	_ = 	snop  }
0x5: {  	_ = 	snop  }
0x6: {  	_ = 	snop  }
0x7: {  	_ = 	snop  }
__scs_overlays_trampoline_lowered:
0x8: {  	[smem:$0x3FAB] =	sst s0  }
0x9: {  	[smem:$0x3FAC] =	sst s1  }
0xa: {  	[smem:$0x3FAD] =	sst s2  }
0xb: {  	[smem:$0x3FAE] =	sst s3  }
0xc: {  	[smem:$0x3FAF] =	sst s4  }
0xd: {  	[smem:$0x3FB0] =	sst s5  }
0xe: {  	[smem:$0x3FB1] =	sst s6  }
0xf: {  	[smem:$0x3FB2] =	sst s7  }
0x10: {  	[smem:$0x3FB3] =	sst s8  }
0x11: {  	[smem:$0x3FB4] =	sst s9;
	s0 =	simm.s32 @!p0 $0x0  }
0x12: {  	s1 =	sld [smem:$0x3F9A];
	s0 =	simm.s32 @p0 $0x1  }
0x13: {  	[smem:$0x3FB5] =	sst s0;
	s0 =	simm.s32 @!p1 $0x0  }
0x14: {  	s2 =	sld [smem:$0x3F99];
	s0 =	simm.s32 @p1 $0x1  }
0x15: {  	[smem:$0x3FB6] =	sst s0;
	s0 =	simm.s32 @!p2 $0x0  }
0x16: {  	s3 =	sld [smem:$0x3FDB];
	s0 =	simm.s32 @p2 $0x1  }
0x17: {  	s4 =	simm.s32 $0x1BF5;
	[smem:$0x3FB8] =	sst s0  }
0x18: {  	s0 =	sld [smem:$0x3F9B];
	_ =	swait.ge [sflag:s4], $0x0  }
0x19: {  	s7 =	sld [smem:$0x3F9C]  }
0x1a: {  	s8 =	sadd.s32 $0xFFFFE003, lr  }
0x1b: {  	s9 =	sadd.s32 $0xFFFFFEF7, lr;
	s5 =	simm.s32 $0xFFFFFFFF;
	p2 =	slt.u32 s8, $0xFFFFF086  }
0x1c: {  	p1 =	slt.u32 s9, $0xF7A;
	s5 =	simm.s32 @!p2 $0x0  }
0x1d: {  	s5 =	simm.s32 @p1 $0x1;
	p0 =	seq.s32 s7, s2  }
0x1e: {  	s7 =	smul.u32 @!p0 $0xF7A, s2;
	p2 =	seq.s32 @!p0 s5, $0x0  }
0x1f: {  	s9 =	smul.u32 $0xF7A, s1;
	s8 =	simm.s32 @!p0 $0x1BF5;
	p2 =	por !p2, p0  }
0x20: {  	[sflag:s8] =	ssyncset.s32 @!p0 $0xFFFFF086;
	s6 =	sadd.s32 @!p0 s3, s7;
	s7 =	simm.s32 @!p0 $0x108  }
0x21: {  	s3 =	sadd.s32 s3, s9;
	s6 =	sadd.s32 @!p0 $0x88, s6;
	s7 =	simm.s32 @p2 $0x1082  }
0x22: {  	[simem:s7], [sflag:s8] =	dma.local @!p0 [hbm:s6], $0xF7A  }
0x23: {  	s9 =	sor.u32 $0xD0000000, s2;
	s6 =	simm.s32 $0x108;
	_ =	swait.ge @!p0 [sflag:s8], $0x0  }
0x24: {  	s3 =	sadd.s32 $0x88, s3;
	s6 =	simm.s32 @!p1 $0x1082;
	[sflag:s4] =	ssyncset.s32 $0xFFFFF086  }
0x25: {  	[simem:s6], [sflag:s4] =	dma.local [hbm:s3], $0xF7A  }
0x26: {  	[smem:$0x3F9C] =	sst s1;
	(tag) =	ssettag s2;
	_ =	strace s9  }
0x27: {  	s1 =	sld [smem:$0x3FAC]  }
0x28: {  	s2 =	sld [smem:$0x3FAD]  }
0x29: {  	s4 =	sld [smem:$0x3FAF]  }
0x2a: {  	p0 =	seq.s32 s5, $0x0;
	s5 =	sld [smem:$0x3FB0]  }
0x2b: {  	s6 =	sld [smem:$0x3FB1]  }
0x2c: {  	s7 =	sld [smem:$0x3FB2]  }
0x2d: {  	s3 =	simm.s32 $0x108;
	s8 =	sld [smem:$0x3FB3]  }
0x2e: {  	s3 =	simm.s32 @!p0 $0x1082;
	s9 =	sld [smem:$0x3FB4]  }
0x2f: {  	lr =	sadd.s32 s0, s3;
	s0 =	sld [smem:$0x3FAB]  }
0x30: {  	s3 =	sld [smem:$0x3FAE]  }
0x31: {  	[smem:$0x3FB7] =	sst s10  }
0x32: {  	s10 =	sld [smem:$0x3FB5];
	_ =	sdelay $0x3  }
0x33: {  	p0 =	seq.s32 s10, $0x1;
	s10 =	sld [smem:$0x3FB7];
	_ =	sdelay $0x3  }
0x34: {  	[smem:$0x3FB7] =	sst s10  }
0x35: {  	s10 =	sld [smem:$0x3FB6];
	_ =	sdelay $0x3  }
0x36: {  	p1 =	seq.s32 s10, $0x1;
	s10 =	sld [smem:$0x3FB7];
	_ =	sdelay $0x3  }
0x37: {  	[smem:$0x3FB7] =	sst s10  }
0x38: {  	s10 =	sld [smem:$0x3FB8]  }
0x39: {  	_ = 	snop;
	(pc) =	sbr.ind lr, $3  }
0x3a: {  	_ = 	snop  }
0x3b: {  	_ = 	snop  }
0x3c: {  	p2 =	seq.s32 s10, $0x1;
	s10 =	sld [smem:$0x3FB7]  }
0x3d: {  	_ =	shalt  }
0x3e: {  	_ =	shalt  }
0x3f: {  	_ =	shalt  }
0x40: {  	_ =	shalt  }
0x41: {  	_ =	shalt  }
0x42: {  	_ =	shalt  }
0x43: {  	_ =	shalt  }
0x44: {  	_ =	shalt  }
0x45: {  	_ =	shalt  }
0x46: {  	_ =	shalt  }
0x47: {  	_ =	shalt  }
0x48: {  	_ =	shalt  }
0x49: {  	_ =	shalt  }
0x4a: {  	_ =	shalt  }
0x4b: {  	_ =	shalt  }
0x4c: {  	_ =	shalt  }
0x4d: {  	_ =	shalt  }
0x4e: {  	_ =	shalt  }
0x4f: {  	_ =	shalt  }
0x50: {  	_ =	shalt  }
0x51: {  	_ =	shalt  }
0x52: {  	_ =	shalt  }
0x53: {  	_ =	shalt  }
0x54: {  	_ =	shalt  }
0x55: {  	_ =	shalt  }
0x56: {  	_ =	shalt  }
0x57: {  	_ =	shalt  }
0x58: {  	_ =	shalt  }
0x59: {  	_ =	shalt  }
0x5a: {  	_ =	shalt  }
0x5b: {  	_ =	shalt  }
0x5c: {  	_ =	shalt  }
0x5d: {  	_ =	shalt  }
0x5e: {  	_ =	shalt  }
0x5f: {  	_ =	shalt  }
0x60: {  	_ =	shalt  }
0x61: {  	_ =	shalt  }
0x62: {  	_ =	shalt  }
0x63: {  	_ =	shalt  }
0x64: {  	_ =	shalt  }
0x65: {  	_ =	shalt  }
0x66: {  	_ =	shalt  }
0x67: {  	_ =	shalt  }
0x68: {  	_ =	shalt  }
0x69: {  	_ =	shalt  }
0x6a: {  	_ =	shalt  }
0x6b: {  	_ =	shalt  }
0x6c: {  	_ =	shalt  }
0x6d: {  	_ =	shalt  }
0x6e: {  	_ =	shalt  }
0x6f: {  	_ =	shalt  }
0x70: {  	_ =	shalt  }
0x71: {  	_ =	shalt  }
0x72: {  	_ =	shalt  }
0x73: {  	_ =	shalt  }
0x74: {  	_ =	shalt  }
0x75: {  	_ =	shalt  }
0x76: {  	_ =	shalt  }
0x77: {  	_ =	shalt  }
0x78: {  	_ =	shalt  }
0x79: {  	_ =	shalt  }
0x7a: {  	_ =	shalt  }
0x7b: {  	_ =	shalt  }
0x7c: {  	_ =	shalt  }
0x7d: {  	_ =	shalt  }
0x7e: {  	_ =	shalt  }
0x7f: {  	_ =	shalt  }
0x80: {  	_ =	shalt  }
0x81: {  	_ =	shalt  }
0x82: {  	_ =	shalt  }
0x83: {  	_ =	shalt  }
0x84: {  	_ =	shalt  }
0x85: {  	_ =	shalt  }
0x86: {  	_ =	shalt  }
0x87: {  	_ =	shalt  }
.Lfunc_end0:
.L_simem_size_0:
called_computation.1_lowered:
.L_overlay_start_0:
0x88: {  	s2 =	sld [smem:$0x3FD9]  }
0x89: {  	s3 =	sld [smem:$0x3FFE];
	_ =	sdelay $0x1  }
0x8a: {  	s1 =	srdreg.scid  }
0x8b: {  	s0 =	sand.u32 $0x1, s1  }
0x8c: {  	s17 =	sshll.u32 s0, $0xA;
	s2 =	sadd.s32 s3, s2  }
0x8d: {  	s2 =	sadd.s32 s2, s17  }
0x8e: {  	[smem:$0x3FC3] =	sst s2  }
0x8f: {  	_ = 	snop  }
0x90: {  	s2 =	sld [smem:$0x3FC9]  }
0x91: {  	s18 =	sld [smem:$0x3FD0];
	(tm) =	ssettm $0x1  }
0x92: {  	s4 =	sld [smem:$0x3FFB];
	_ =	sdelay $0x3  }
0x93: {  	_ =	strace s4  }
0x94: {  	s4 =	sld [smem:$0x3FFC];
	_ =	sdelay $0x3  }
0x95: {  	_ =	strace s4  }
0x96: {  	s4 =	sld [smem:$0x3FFD];
	_ =	sdelay $0x3  }
0x97: {  	_ =	strace s4  }
0x98: {  	_ =	strace $0x8FFFFFFF  }
0x99: {  	s19 =	sld [smem:$0x3FDB];
	_ =	sdelay $0x1  }
0x9a: {  	s5 =	simm.s32 $_scs_section_size  }
0x9b: {  	s6 =	simm.s32 $_size__tile_overlayer_lowered;
	s7 =	simm.s32 $_tile_overlayer_lowered  }
0x9c: {  	s22 =	simm.s32 $0x1BFF;
	s21 =	sshll.u32 s7, $0x1;
	s4 =	sadd.s32 s5, s19  }
0x9d: {  	s8 =	simm.s32 $0x0;
	s20 =	sshll.u32 s6, $0x1;
	s6 =	sadd.s32 s21, s4  }
0x9e: {  	[timem:s8], [sflag:s22] =	dma.local [hbm:s6], s20  }
0x9f: {  	_ =	swait.ge [sflag:s22], s20  }
0xa0: {  	s5 =	ssub.s32 $0x0, s20;
	[sflag:s22] =	ssyncset.done $0x0  }
0xa1: {  	[sflag:s22] =	ssyncadd.s32 s5;
	_ =	sdelay $0x1  }
0xa2: {  	s23 =	simm.s32 $0x1B8B  }
0xa3: {  	_ =	swait.ge [sflag:s23], $0x1  }
0xa4: {  	[sflag:s23] =	ssyncset.done $0x0  }
0xa5: {  	s25 =	simm.s32 $0x1B8E;
	s24 =	sld [smem:$0x3FFE];
	[sflag:s23] =	ssyncadd.s32 $0xFFFFFFFF  }
0xa6: {  	s26 =	simm.s32 $execute0_lowered;
	[smem:$0x3FD2] =	sst s25  }
0xa7: {  	s6 =	sshll.u32 s26, $0x1;
	_ =	strace $0x80000049;
	[dreg:$0x1] =	wrdreg $0xFFFFFFFF  }
0xa8: {  	s28 =	simm.s32 $_size_execute0_lowered;
	s4 =	sadd.s32 s4, s6;
	[dreg:$0x0] =	wrdreg $0x0  }
0xa9: {  	s6 =	sshll.u32 s28, $0x1;
	[dreg:$0x2] =	wrdreg s4  }
0xaa: {  	[dreg:$0x3] =	wrdreg s6  }
0xab: {  	[dreg:$0x4] =	wrdreg $0xC0  }
0xac: {  	_ =	task [dreg:s8], $0x5FFFF  }
0xad: {  	[dreg:$0x1] =	wrdreg $0xFFFFFFFF  }
0xae: {  	[dreg:$0x0] =	wrdreg $0x60  }
0xaf: {  	[dreg:$0x2] =	wrdreg s2  }
0xb0: {  	[dreg:$0x3] =	wrdreg s24  }
0xb1: {  	[dreg:$0x4] =	wrdreg s18  }
0xb2: {  	[dreg:$0x5] =	wrdreg $0x9  }
0xb3: {  	_ =	task.clear_ibuf [dreg:s8], $0x6FFFF;
	_ =	strace $0x90000049  }
0xb4: {  	s29 =	simm.s32 $0x9;
	_ =	strace $0x8000004B  }
0xb5: {  	_ =	swait.ge [sflag:s29], $0x1  }
0xb6: {  	[sflag:s29] =	ssyncadd.s32 $0xFFFFFFFF  }
0xb7: {  	_ =	strace $0x9000004B  }
0xb8: {  	_ =	sfence  }
0xb9: {  	s30 =	sld [smem:$0x0];
	_ =	sdelay $0x2  }
0xba: {  	s31 =	sshll.u32 s1, $0xD;
	s1 =	sshrl.u32 s1, $0x2  }
0xbb: {  	s3 =	sand.u32 $0x4000, s31;
	s1 =	sadd.s32 s1, s30  }
0xbc: {  	s0 =	sor.u32 s3, s0;
	s1 =	sshll.u32 s1, $0x11  }
0xbd: {  	s0 =	sor.u32 s1, s0  }
0xbe: {  	s0 =	sadd.s32 $0x8F2B, s0  }
0xbf: {  	[sflag:s0] =	ssyncadd.remote.s32 $0x1  }
0xc0: {  	_ =	sfence.sel $0xFFFF  }
0xc1: {  	[dreg:$0x0] =	wrdreg $0xFFFFFFFF;
	(pc) =	sbr.abs _section_cstart, $3  }
0xc2: {  	[dreg:$0x1] =	wrdreg $0xFFFFFFFF  }
0xc3: {  	_ =	task.clear_ibuf [dreg:s8], $0x2FFFF;
	_ =	strace $0x9FFFFFFF  }
0xc4: {  	(tm) =	ssettm $0x7FFFFFFF  }
0xc5: {  	_ =	shalt  }
tec
execute0_lowered:
.L_overlay_start_1:
0x0: {  	(tag) =	ssettag $0x1  }
0x1: {  	s1 =	rddreg [dreg:$0x0]  }
0x2: {  	s5 =	rddreg [dreg:$0x1]  }
0x3: {  	s3 =	rddreg [dreg:$0x2]  }
0x4: {  	s0 =	rddreg [dreg:$0x3]  }
0x5: {  	s6 =	srdreg.scid;
	s2 =	stileid.u32;
	s4 =	simm.s32 $0x0  }
0x6: {  	s11 =	simm.s32 $0x400;
	s12 =	simm.s32 $0x800;
	s13 =	simm.s32 $0x1  }
0x7: {  	s14 =	simm.s32 $0x0;
	s6 =	sand.u32 $0x1, s6;
	s7 =	sshll.u32 s2, $0x8  }
0x8: {  	s8 =	sshrl.u32 s2, $0x2;
	[smem:$0x7FF] =	sst s4;
	s9 =	sshll.u32 s6, $0x7  }
0x9: {  	s7 =	sand.u32 $0x300, s7;
	s10 =	sshll.u32 s8, $0xE;
	_ =	strace $0x8000004A  }
0xa: {  	s8 =	sshll.u32 s8, $0xA;
	s6 =	ssub.s32 $0x2, s6;
	s7 =	sor.u32 s9, s7  }
.Ltmp0:
0xb: {  	s31 =	sshrl.u32 s6, $0x1;
	s9 =	sor.u32 s10, s7;
	(pc) =	sbr.rel .LBB2_1-.Ltmp0, $4  }
0xc: {  	s7 =	sor.u32 s8, s7;
	s8 =	sadd.s32 $0x100, s3;
	s9 =	sshrl.u32 s9, $0x3  }
0xd: {  	s10 =	simm.s32 $0x80;
	s7 =	sshrl.u32 s7, $0x3;
	s30 =	sadd.s32 s9, s5  }
0xe: {  	s7 =	sadd.s32 s7, s5;
	s9 =	ssub.s32 s6, s31;
	s5 =	sadd.s32 $0xE00, s30  }
0xf: {  	v0 =	vlaneseq.u32;
	s6 =	sadd.s32 $0x2E00, s7;
	s7 =	sadd.s32 $0x100, s1;
	s9 =	smax.u32 s9, $0x1  }
.LBB2_5:
0x10: {  	s14 =	sadd.s32 $0x1, s14  }
0x11: {  	p0 =	sne.s32 s14, s9  }
.Ltmp1:
0x12: {  	_ = 	snop;
	(pc) =	sbr.rel @!p0 .LBB2_6-.Ltmp1, $1  }
0x13: {  	_ =	sdelay $0x3  }
.LBB2_1:
0x14: {  	[tilespmem:s4], [sflag:$0x1] =	stream.strided.gather [hbm4b:s5+s10], $0x800, s11, s10, $0x38;
	[tilespmem:$0x10880] =	vst v63  }
0x15: {  	_ = 	snop  }
0x16: {  	[tilespmem:s12], [sflag:$0x1] =	stream.linear.gather [hbm4b:s6+s4], $0x80, $0x38;
	[tilespmem:$0x10880] =	vst v63  }
0x17: {  	_ =	swait.ge [sflag:s13], $0x800  }
0x18: {  	[sflag:s13] =	ssyncset.done $0x0  }
0x19: {  	[sflag:s13] =	ssyncadd.s32 $0xFFFFF800  }
0x1a: {  	_ =	swait.ge [sflag:s13], $0x80  }
0x1b: {  	[sflag:s13] =	ssyncset.done $0x0  }
0x1c: {  	[sflag:s13] =	ssyncadd.s32 $0xFFFFFF80  }
0x1d: {  	v1 =	vld [tilespmem:$0x800];
	_ =	sdelay $0x4  }
0x1e: {  	v1 =	vxor.u32 $0x80000000, v1  }
0x1f: {  	(xrf0) =	vmax.scan.msk.u32 $0xffff, v1;
	_ =	sdelay $0x5  }
0x20: {  	v1, _, _ =	vpop (xrf0)  }
0x21: {  	(v2sf) =	vpush v1, $0xF;
	_ =	sdelay $0x9  }
0x22: {  	s17 =	simm.s32 $0x0  }
0x23: {  	s15 =	smin.u32 s17, $0x7F  }
0x24: {  	s15 =	sshll.u32 s15, $0x4  }
0x25: {  	v2 =	vld [tilespmem:s15+$0x0];
	_ =	sdelay $0x1  }
0x26: {  	s16 =	spop (v2sf)  }
0x27: {  	s18 =	sxor.u32 $0x80000000, s16  }
0x28: {  	v3 =	vor.u32 s15, v0;
	v1 =	vmov s18  }
0x29: {  	vm0 =	vlt.s32 v3, v1;
	v3 =	vxor.u32 $0x80000000, v2  }
0x2a: {  	v3 =	vnsel vm0, $0x7FFFFFFF, v3  }
0x2b: {  	(xrf0) =	vmax.scan.msk.u32 $0xffff, v3;
	_ =	sdelay $0x5  }
0x2c: {  	v3, _, _ =	vpop (xrf0)  }
0x2d: {  	(v2sf) =	vpush v3, $0xF;
	_ =	sdelay $0xe  }
0x2e: {  	s16 =	sadd.s32 $0x8000000F, s16;
	s31 =	spop (v2sf)  }
0x2f: {  	s15 =	sshrl.u32 s16, $0x4;
	s18 =	sxor.u32 $0x80000000, s31  }
0x30: {  	p0 =	sle.u32 s15, $0x0;
	v2 =	vnsel vm0, s18, v2  }
0x31: {  	v3 =	vshll.u32 @!p0 v2, $0x2  }
0x32: {  	v5 =	vlaneseq.u32 @!p0;
	v4 =	vand.u32 @!p0 $0x7, v2;
	v3 =	vand.u32 @!p0 $0x7FE0, v3  }
0x33: {  	v6 =	vand.u32 @!p0 $0x7, v5;
	v7 =	vshrl.u32 @!p0 v5, $0x3;
	v3 =	vor.u32 @!p0 v4, v3  }
0x34: {  	v4 =	vperm.xlane @!p0 v3, v6;
	v6 =	vmul.u32 @!p0 $0x8, v7  }
0x35: {  	p1 =	por @!p0 $0x1, $0x1  }
0x36: {  	p2 =	por p1, p0;
	s18 =	sand.u32 @!p0 $0x7, s17;
	v4 =	vadd.s32 @!p0 v6, v4  }
0x37: {  	v5 =	vor.u32 @!p0 $0x8, v5;
	s19 =	sadd.s32 @!p2 $0xA, s18  }
0x38: {  	p1 =	sle.u32 s15, $0xFFFFFFFF;
	_ =	swait.ge @!p2 [sflag:s19], $0x2000;
	v3 =	vperm.xlane @!p0 v3, v5  }
0x39: {  	s20 =	sshll.u32 @!p0 s18, $0xD;
	s18 =	sadd.s32 @!p0 $0x2, s18;
	[sflag:s19] =	ssyncset.done @!p2 $0x0  }
0x3a: {  	vm0 =	vmmov @!p0 $0xffff;
	s21 =	sor.u32 @!p0 $0x880, s20;
	v5 =	vimm.s32 $0x0;
	[sflag:s19] =	ssyncadd.s32 @!p2 $0xFFFFE000;
	s19 =	simm.s32 @!p0 $0x0;
	v3 =	vadd.s32 @!p0 v6, v3  }
0x3b: {  	v6 =	vshll.u32 @!p1 v5, $0x2;
	[tilespmem:s21], [sflag:s18] =	stream.indirect_vreg.gather @!p0 [hbm4b:s1+s19], $0x80, v4, vm0, $0xb8;
	[tilespmem:$0x10880] =	vst v63  }
0x3c: {  	v8 =	vlaneseq.u32 @!p1;
	s22 =	sor.u32 @!p0 $0x1080, s20;
	v7 =	vand.u32 @!p1 $0x7, v5;
	v6 =	vand.u32 @!p1 $0x1FFFE0, v6;
	s21 =	simm.s32 $0xFFFFFFFF  }
0x3d: {  	v6 =	vor.u32 @!p1 v7, v6;
	v7 =	vand.u32 @!p1 $0x7, v8;
	[tilespmem:s22], [sflag:s18] =	stream.indirect_vreg.gather @!p0 [hbm4b:s7+s19], $0x80, v4, vm0, $0xb8;
	v4 =	vshrl.u32 @!p1 v8, $0x3;
	[tilespmem:$0x10880] =	vst v63  }
0x3e: {  	v7 =	vperm.xlane @!p1 v6, v7;
	s21 =	sand.u32 @!p1 $0x7, s21;
	s22 =	sor.u32 @!p0 $0x1880, s20;
	v4 =	vmul.u32 @!p1 $0x8, v4  }
0x3f: {  	[tilespmem:s22], [sflag:s18] =	stream.indirect_vreg.gather @!p0 [hbm4b:s1+s19], $0x80, v3, vm0, $0xb8;
	[tilespmem:$0x10880] =	vst v63  }
0x40: {  	s20 =	sadd.s32 @!p0 $0x2080, s20;
	s22 =	sadd.s32 @!p1 $0x2, s21;
	v7 =	vadd.s32 @!p1 v4, v7  }
0x41: {  	[tilespmem:s20], [sflag:s18] =	stream.indirect_vreg.gather @!p0 [hbm4b:s7+s19], $0x80, v3, vm0, $0xb8;
	[tilespmem:$0x10880] =	vst v63  }
0x42: {  	v3 =	vor.u32 @!p1 $0x8, v8;
	_ =	swait.ge @!p1 [sflag:s22], $0x2000  }
0x43: {  	s18 =	sshll.u32 @!p1 s21, $0xD;
	s19 =	sadd.s32 @!p1 $0xA, s21;
	v3 =	vperm.xlane @!p1 v6, v3;
	[sflag:s22] =	ssyncset.done @!p1 $0x0  }
0x44: {  	vm0 =	vmmov @!p1 $0xffff;
	s20 =	simm.s32 @!p1 $0x0;
	s23 =	sor.u32 @!p1 $0x880, s18;
	[sflag:s22] =	ssyncadd.s32 @!p1 $0xFFFFE000  }
0x45: {  	v3 =	vadd.s32 @!p1 v4, v3;
	[hbm4b:s3+s20] =	stream.indirect_vreg.scatter @!p1 [tilespmem:s23], [sflag:s19], $0x80, v7, vm0, $0xb8;
	[tilespmem:$0x10880] =	vst v63  }
0x46: {  	p6 =	sgt.u32 s15, $0x0;
	s21 =	sor.u32 @!p1 $0x1080, s18  }
0x47: {  	v2 =	vshrl.u32 v2, $0xD;
	[hbm4b:s8+s20] =	stream.indirect_vreg.scatter @!p1 [tilespmem:s21], [sflag:s19], $0x80, v7, vm0, $0xb8;
	[tilespmem:$0x10880] =	vst v63  }
0x48: {  	v2 =	vpsel p6, v2, v5;
	s22 =	sor.u32 @!p1 $0x1880, s18;
	s21 =	sadd.s32 @!p1 $0x2080, s18  }
.LBB2_2:
0x49: {  	v4 =	vmov v2;
	s18 =	smov.u32 s17;
	s17 =	sadd.s32 $0x1, s17  }
0x4a: {  	[hbm4b:s3+s20] =	stream.indirect_vreg.scatter @!p1 [tilespmem:s22], [sflag:s19], $0x80, v3, vm0, $0xb8;
	[tilespmem:$0x10880] =	vst v63  }
0x4b: {  	s22 =	smin.u32 s17, $0x7F;
	p0 =	sne.s32 s17, $0x80  }
0x4c: {  	s22 =	sshll.u32 s22, $0x4  }
0x4d: {  	v5 =	vor.u32 s22, v0;
	[hbm4b:s8+s20] =	stream.indirect_vreg.scatter @!p1 [tilespmem:s21], [sflag:s19], $0x80, v3, vm0, $0xb8;
	[tilespmem:$0x10880] =	vst v63  }
0x4e: {  	v3 =	vld [tilespmem:s22+$0x0];
	_ =	sdelay $0x4  }
0x4f: {  	vm0 =	vlt.s32 v5, v1;
	v5 =	vxor.u32 $0x80000000, v3  }
0x50: {  	v5 =	vnsel vm0, $0x7FFFFFFF, v5  }
0x51: {  	(xrf0) =	vmax.scan.msk.u32 $0xffff, v5;
	_ =	sdelay $0x5  }
0x52: {  	v5, _, _ =	vpop (xrf0)  }
0x53: {  	(v2sf) =	vpush v5, $0xF;
	_ =	sdelay $0xe  }
0x54: {  	s19 =	spop (v2sf)  }
0x55: {  	s19 =	sxor.u32 $0x80000000, s19  }
0x56: {  	p2 =	sge.u32 s17, s15;
	v3 =	vnsel vm0, s19, v3  }
0x57: {  	v7 =	vlaneseq.u32 @!p2;
	p1 =	slt.u32 @!p2 s17, $0x8;
	s19 =	sand.u32 @!p2 $0x7, s17;
	v5 =	vand.u32 @!p2 $0x7, v3;
	v6 =	vshll.u32 @!p2 v3, $0x2  }
0x58: {  	v8 =	vand.u32 @!p2 $0x7, v7;
	v9 =	vshrl.u32 @!p2 v7, $0x3;
	p3 =	por p1, p2;
	s20 =	sshll.u32 @!p2 s19, $0xD;
	v6 =	vand.u32 @!p2 $0x7FE0, v6  }
0x59: {  	v3 =	vshrl.u32 v3, $0xD;
	s21 =	sadd.s32 @!p3 $0xA, s19;
	s22 =	sor.u32 @!p2 $0x880, s20;
	s23 =	sor.u32 @!p2 $0x1080, s20;
	v5 =	vor.u32 @!p2 v5, v6;
	v6 =	vor.u32 @!p2 $0x8, v7  }
0x5a: {  	p1 =	slt.u32 s17, s15;
	s24 =	sor.u32 @!p2 $0x1880, s20;
	s20 =	sadd.s32 @!p2 $0x2080, s20;
	v7 =	vperm.xlane @!p2 v5, v8;
	v8 =	vmul.u32 @!p2 $0x8, v9;
	v5 =	vperm.xlane @!p2 v5, v6  }
0x5b: {  	v2 =	vpsel p1, v3, v2  }
0x5c: {  	v3 =	vadd.s32 @!p2 v8, v7;
	_ =	sdelay $0x1  }
0x5d: {  	_ =	swait.ge @!p3 [sflag:s21], $0x2000  }
0x5e: {  	p1 =	sge.u32 s18, s15;
	[sflag:s21] =	ssyncset.done @!p3 $0x0  }
0x5f: {  	vm0 =	vmmov @!p2 $0xffff;
	s19 =	sadd.s32 @!p2 $0x2, s19;
	v6 =	vshll.u32 @!p1 v4, $0x2;
	v5 =	vadd.s32 @!p2 v8, v5;
	[sflag:s21] =	ssyncadd.s32 @!p3 $0xFFFFE000;
	s21 =	simm.s32 @!p2 $0x0  }
0x60: {  	v4 =	vand.u32 @!p1 $0x7, v4;
	v6 =	vand.u32 @!p1 $0x1FFFE0, v6;
	v7 =	vlaneseq.u32 @!p1;
	[tilespmem:s22], [sflag:s19] =	stream.indirect_vreg.gather @!p2 [hbm4b:s1+s21], $0x80, v3, vm0, $0xb8;
	[tilespmem:$0x10880] =	vst v63  }
0x61: {  	s18 =	sand.u32 @!p1 $0x7, s18;
	v4 =	vor.u32 @!p1 v4, v6;
	v6 =	vand.u32 @!p1 $0x7, v7;
	v8 =	vshrl.u32 @!p1 v7, $0x3  }
0x62: {  	v7 =	vor.u32 @!p1 $0x8, v7;
	[tilespmem:s23], [sflag:s19] =	stream.indirect_vreg.gather @!p2 [hbm4b:s7+s21], $0x80, v3, vm0, $0xb8;
	v3 =	vperm.xlane @!p1 v4, v6;
	v6 =	vmul.u32 @!p1 $0x8, v8;
	[tilespmem:$0x10880] =	vst v63  }
0x63: {  	s23 =	sshll.u32 @!p1 s18, $0xD;
	v4 =	vperm.xlane @!p1 v4, v7  }
0x64: {  	[tilespmem:s24], [sflag:s19] =	stream.indirect_vreg.gather @!p2 [hbm4b:s1+s21], $0x80, v5, vm0, $0xb8;
	[tilespmem:$0x10880] =	vst v63  }
0x65: {  	s25 =	sor.u32 @!p1 $0x880, s23;
	s26 =	sor.u32 @!p1 $0x1080, s23;
	s24 =	sadd.s32 @!p1 $0x2, s18;
	v7 =	vadd.s32 @!p1 v6, v3;
	v3 =	vadd.s32 @!p1 v6, v4  }
0x66: {  	[tilespmem:s20], [sflag:s19] =	stream.indirect_vreg.gather @!p2 [hbm4b:s7+s21], $0x80, v5, vm0, $0xb8;
	[tilespmem:$0x10880] =	vst v63  }
0x67: {  	s22 =	sor.u32 @!p1 $0x1880, s23;
	s21 =	sadd.s32 @!p1 $0x2080, s23;
	_ =	swait.ge @!p1 [sflag:s24], $0x2000  }
.Ltmp2:
0x68: {  	[sflag:s24] =	ssyncset.done @!p1 $0x0;
	(pc) =	sbr.rel @p0 .LBB2_2-.Ltmp2, $4  }
0x69: {  	s19 =	sadd.s32 @!p1 $0xA, s18;
	vm0 =	vmmov @!p1 $0xffff;
	s20 =	simm.s32 @!p1 $0x0;
	[sflag:s24] =	ssyncadd.s32 @!p1 $0xFFFFE000  }
0x6a: {  	[hbm4b:s3+s20] =	stream.indirect_vreg.scatter @!p1 [tilespmem:s25], [sflag:s19], $0x80, v7, vm0, $0xb8;
	[tilespmem:$0x10880] =	vst v63  }
0x6b: {  	_ = 	snop  }
0x6c: {  	[hbm4b:s8+s20] =	stream.indirect_vreg.scatter @!p1 [tilespmem:s26], [sflag:s19], $0x80, v7, vm0, $0xb8;
	[tilespmem:$0x10880] =	vst v63  }
0x6d: {  	_ =	sdelay $0x3  }
0x6e: {  	[hbm4b:s3+s20] =	stream.indirect_vreg.scatter @!p1 [tilespmem:s22], [sflag:s19], $0x80, v3, vm0, $0xb8;
	[tilespmem:$0x10880] =	vst v63  }
0x6f: {  	p2 =	seq.s32 s15, $0x0  }
0x70: {  	s17 =	sadd.s32 @!p2 $0xFFFFFFFF, s15  }
0x71: {  	[hbm4b:s8+s20] =	stream.indirect_vreg.scatter @!p1 [tilespmem:s21], [sflag:s19], $0x80, v3, vm0, $0xb8;
	[tilespmem:$0x10880] =	vst v63  }
0x72: {  	p0 =	slt.u32 s16, $0x20;
	s17 =	sand.u32 @!p2 $0x7, s17  }
0x73: {  	s18 =	sadd.s32 @!p0 $0xFFFFFFFE, s15;
	s17 =	sadd.s32 @!p2 $0xA, s17  }
0x74: {  	s19 =	sshrl.u32 @!p0 s18, $0x1D;
	_ =	swait.ge @!p2 [sflag:s17], $0x2000  }
0x75: {  	p1 =	slt.u32 @!p0 s16, $0x30;
	s19 =	sadd.s32 @!p0 s19, s18;
	[sflag:s17] =	ssyncset.done @!p2 $0x0  }
0x76: {  	p1 =	por p0, p1;
	[sflag:s17] =	ssyncadd.s32 @!p2 $0xFFFFE000;
	s17 =	sand.u32 @!p0 $0xFFFFFFF8, s19  }
0x77: {  	s19 =	sadd.s32 @!p1 $0xFFFFFFFD, s15;
	s17 =	ssub.s32 @!p0 s18, s17  }
0x78: {  	p2 =	slt.u32 @!p1 s16, $0x40;
	s18 =	sshrl.u32 @!p1 s19, $0x1D;
	s17 =	sadd.s32 @!p0 $0xA, s17  }
0x79: {  	p2 =	por p1, p2;
	s18 =	sadd.s32 @!p1 s18, s19;
	_ =	swait.ge @!p0 [sflag:s17], $0x2000  }
0x7a: {  	s20 =	sadd.s32 @!p2 $0xFFFFFFFC, s15;
	s18 =	sand.u32 @!p1 $0xFFFFFFF8, s18;
	[sflag:s17] =	ssyncset.done @!p0 $0x0  }
0x7b: {  	s18 =	ssub.s32 @!p1 s19, s18;
	s19 =	sshrl.u32 @!p2 s20, $0x1D;
	[sflag:s17] =	ssyncadd.s32 @!p0 $0xFFFFE000  }
0x7c: {  	s17 =	sadd.s32 @!p1 $0xA, s18;
	s18 =	sadd.s32 @!p2 s19, s20;
	p0 =	slt.u32 @!p2 s16, $0x50  }
0x7d: {  	_ =	swait.ge @!p1 [sflag:s17], $0x2000;
	s18 =	sand.u32 @!p2 $0xFFFFFFF8, s18;
	p0 =	por p2, p0  }
.Ltmp3:
0x7e: {  	[sflag:s17] =	ssyncset.done @!p1 $0x0;
	s18 =	ssub.s32 @!p2 s20, s18;
	(pc) =	sbr.rel @p0 .LBB2_5-.Ltmp3, $4  }
0x7f: {  	[sflag:s17] =	ssyncadd.s32 @!p1 $0xFFFFE000;
	s17 =	sadd.s32 @!p2 $0xA, s18  }
0x80: {  	_ =	swait.ge @!p2 [sflag:s17], $0x2000  }
0x81: {  	[sflag:s17] =	ssyncset.done @!p2 $0x0  }
0x82: {  	[sflag:s17] =	ssyncadd.s32 @!p2 $0xFFFFE000  }
0x83: {  	s17 =	sadd.s32 $0xFFFFFFFB, s15  }
0x84: {  	s18 =	sshrl.u32 s17, $0x1D  }
0x85: {  	s18 =	sadd.s32 s18, s17  }
0x86: {  	s18 =	sand.u32 $0xFFFFFFF8, s18  }
0x87: {  	s17 =	ssub.s32 s17, s18  }
0x88: {  	p0 =	slt.u32 s16, $0x60;
	s17 =	sadd.s32 $0xA, s17  }
0x89: {  	s18 =	sadd.s32 @!p0 $0xFFFFFFFA, s15;
	_ =	swait.ge [sflag:s17], $0x2000  }
0x8a: {  	p2 =	slt.u32 @!p0 s16, $0x70;
	s19 =	sshrl.u32 @!p0 s18, $0x1D;
	[sflag:s17] =	ssyncset.done $0x0  }
0x8b: {  	p1 =	por p2, p0;
	[sflag:s17] =	ssyncadd.s32 $0xFFFFE000;
	s17 =	sadd.s32 @!p0 s19, s18  }
0x8c: {  	p3 =	slt.u32 @!p1 s16, $0x80;
	s16 =	sadd.s32 @!p1 $0xFFFFFFF9, s15;
	s17 =	sand.u32 @!p0 $0xFFFFFFF8, s17  }
0x8d: {  	p2 =	por @!p0 p3, p2;
	s17 =	ssub.s32 @!p0 s18, s17;
	s18 =	sshrl.u32 @!p1 s16, $0x1D  }
0x8e: {  	p2 =	por p2, p0;
	s17 =	sadd.s32 @!p0 $0xA, s17;
	s18 =	sadd.s32 @!p1 s18, s16  }
0x8f: {  	s15 =	sadd.s32 @!p2 $0xFFFFFFF8, s15;
	_ =	swait.ge @!p0 [sflag:s17], $0x2000;
	s18 =	sand.u32 @!p1 $0xFFFFFFF8, s18  }
0x90: {  	[sflag:s17] =	ssyncset.done @!p0 $0x0;
	s16 =	ssub.s32 @!p1 s16, s18;
	s18 =	sshrl.u32 @!p2 s15, $0x1D  }
0x91: {  	[sflag:s17] =	ssyncadd.s32 @!p0 $0xFFFFE000;
	s16 =	sadd.s32 @!p1 $0xA, s16;
	s17 =	sadd.s32 @!p2 s18, s15  }
0x92: {  	_ =	swait.ge @!p1 [sflag:s16], $0x2000;
	s17 =	sand.u32 @!p2 $0xFFFFFFF8, s17  }
.Ltmp4:
0x93: {  	[sflag:s16] =	ssyncset.done @!p1 $0x0;
	s15 =	ssub.s32 @!p2 s15, s17;
	(pc) =	sbr.rel .LBB2_5-.Ltmp4, $4  }
0x94: {  	[sflag:s16] =	ssyncadd.s32 @!p1 $0xFFFFE000;
	s15 =	sadd.s32 @!p2 $0xA, s15  }
0x95: {  	_ =	swait.ge @!p2 [sflag:s15], $0x2000  }
0x96: {  	[sflag:s15] =	ssyncset.done @!p2 $0x0  }
0x97: {  	[sflag:s15] =	ssyncadd.s32 @!p2 $0xFFFFE000  }
.LBB2_6:
0x98: {  	_ =	sfence.sel $0x180000  }
0x99: {  	[bflag:$0x0] =	sbarrier.arrive $0xFFFF  }
0x9a: {  	p0 =	sne.s32 s2, $0x0;
	_ =	strace $0x9000004A  }
0x9b: {  	s0 =	sadd.s32 @!p0 $0x100000, s0;
	[bflag:$0x2] =	sbarrier.arrive $0xFFFF  }
0x9c: {  	[sflag:s0] =	ssyncadd.tile.s32 @!p0 $0x1;
	_ =	shalt  }
.Lfunc_end2:
_tile_overlayer_lowered:
.L_overlay_start_2:
0x9d: {  	(tag) =	ssettag $0x2  }
0x9e: {  	s0 =	rddreg [dreg:$0x0];
	s2 =	stileid.u32  }
0x9f: {  	s1 =	rddreg [dreg:$0x1];
	p0 =	sne.s32 s2, $0x0  }
0xa0: {  	s3 =	rddreg [dreg:$0x2];
	[bflag:$0x3] =	sbarrier.arrive $0xFFFF;
	s2 =	simm.s32 @!p0 $0x1C12  }
0xa1: {  	[timem:s3], [sflag:s2] =	dma.local @!p0 [hbm:s0], s1  }
0xa2: {  	s0 =	simm.s32 @!p0 $0x12  }
0xa3: {  	_ =	swait.ge @!p0 [sflag:s0], s1  }
0xa4: {  	s1 =	ssub.s32 @!p0 $0x0, s1;
	[sflag:s0] =	ssyncset.done @!p0 $0x0  }
0xa5: {  	[sflag:s0] =	ssyncadd.s32 @!p0 s1  }
0xa6: {  	[bflag:$0x3] =	sbarrier.arrive $0xFFFF  }
0xa7: {  	_ =	shalt  }

// kernel: sc_scatter_plan.3.cloned.1.call-start
scs
__scs_entry_jumppad:
0x0: {  	(pc) =	sbr.rel $0x88, $3  }
0x1: {  	(tag) =	ssettag $0x0;
	lr =	simm.s32 $0x1  }
0x2: {  	[smem:$0x3F9C] =	sst lr;
	_ =	strace $0xD0000000  }
0x3: {  	_ = 	snop  }
0x4: {  	_ = 	snop  }
0x5: {  	_ = 	snop  }
0x6: {  	_ = 	snop  }
0x7: {  	_ = 	snop  }
__scs_overlays_trampoline_lowered:
0x8: {  	[smem:$0x3FAB] =	sst s0  }
0x9: {  	[smem:$0x3FAC] =	sst s1  }
0xa: {  	[smem:$0x3FAD] =	sst s2  }
0xb: {  	[smem:$0x3FAE] =	sst s3  }
0xc: {  	[smem:$0x3FAF] =	sst s4  }
0xd: {  	[smem:$0x3FB0] =	sst s5  }
0xe: {  	[smem:$0x3FB1] =	sst s6  }
0xf: {  	[smem:$0x3FB2] =	sst s7  }
0x10: {  	[smem:$0x3FB3] =	sst s8  }
0x11: {  	[smem:$0x3FB4] =	sst s9;
	s0 =	simm.s32 @!p0 $0x0  }
0x12: {  	s1 =	sld [smem:$0x3F9A];
	s0 =	simm.s32 @p0 $0x1  }
0x13: {  	[smem:$0x3FB5] =	sst s0;
	s0 =	simm.s32 @!p1 $0x0  }
0x14: {  	s2 =	sld [smem:$0x3F99];
	s0 =	simm.s32 @p1 $0x1  }
0x15: {  	[smem:$0x3FB6] =	sst s0;
	s0 =	simm.s32 @!p2 $0x0  }
0x16: {  	s3 =	sld [smem:$0x3FDB];
	s0 =	simm.s32 @p2 $0x1  }
0x17: {  	s4 =	simm.s32 $0x1BF5;
	[smem:$0x3FB8] =	sst s0  }
0x18: {  	s0 =	sld [smem:$0x3F9B];
	_ =	swait.ge [sflag:s4], $0x0  }
0x19: {  	s7 =	sld [smem:$0x3F9C]  }
0x1a: {  	s8 =	sadd.s32 $0xFFFFE003, lr  }
0x1b: {  	s9 =	sadd.s32 $0xFFFFFEF7, lr;
	s5 =	simm.s32 $0xFFFFFFFF;
	p2 =	slt.u32 s8, $0xFFFFF086  }
0x1c: {  	p1 =	slt.u32 s9, $0xF7A;
	s5 =	simm.s32 @!p2 $0x0  }
0x1d: {  	s5 =	simm.s32 @p1 $0x1;
	p0 =	seq.s32 s7, s2  }
0x1e: {  	s7 =	smul.u32 @!p0 $0xF7A, s2;
	p2 =	seq.s32 @!p0 s5, $0x0  }
0x1f: {  	s9 =	smul.u32 $0xF7A, s1;
	s8 =	simm.s32 @!p0 $0x1BF5;
	p2 =	por !p2, p0  }
0x20: {  	[sflag:s8] =	ssyncset.s32 @!p0 $0xFFFFF086;
	s6 =	sadd.s32 @!p0 s3, s7;
	s7 =	simm.s32 @!p0 $0x108  }
0x21: {  	s3 =	sadd.s32 s3, s9;
	s6 =	sadd.s32 @!p0 $0x88, s6;
	s7 =	simm.s32 @p2 $0x1082  }
0x22: {  	[simem:s7], [sflag:s8] =	dma.local @!p0 [hbm:s6], $0xF7A  }
0x23: {  	s9 =	sor.u32 $0xD0000000, s2;
	s6 =	simm.s32 $0x108;
	_ =	swait.ge @!p0 [sflag:s8], $0x0  }
0x24: {  	s3 =	sadd.s32 $0x88, s3;
	s6 =	simm.s32 @!p1 $0x1082;
	[sflag:s4] =	ssyncset.s32 $0xFFFFF086  }
0x25: {  	[simem:s6], [sflag:s4] =	dma.local [hbm:s3], $0xF7A  }
0x26: {  	[smem:$0x3F9C] =	sst s1;
	(tag) =	ssettag s2;
	_ =	strace s9  }
0x27: {  	s1 =	sld [smem:$0x3FAC]  }
0x28: {  	s2 =	sld [smem:$0x3FAD]  }
0x29: {  	s4 =	sld [smem:$0x3FAF]  }
0x2a: {  	p0 =	seq.s32 s5, $0x0;
	s5 =	sld [smem:$0x3FB0]  }
0x2b: {  	s6 =	sld [smem:$0x3FB1]  }
0x2c: {  	s7 =	sld [smem:$0x3FB2]  }
0x2d: {  	s3 =	simm.s32 $0x108;
	s8 =	sld [smem:$0x3FB3]  }
0x2e: {  	s3 =	simm.s32 @!p0 $0x1082;
	s9 =	sld [smem:$0x3FB4]  }
0x2f: {  	lr =	sadd.s32 s0, s3;
	s0 =	sld [smem:$0x3FAB]  }
0x30: {  	s3 =	sld [smem:$0x3FAE]  }
0x31: {  	[smem:$0x3FB7] =	sst s10  }
0x32: {  	s10 =	sld [smem:$0x3FB5];
	_ =	sdelay $0x3  }
0x33: {  	p0 =	seq.s32 s10, $0x1;
	s10 =	sld [smem:$0x3FB7];
	_ =	sdelay $0x3  }
0x34: {  	[smem:$0x3FB7] =	sst s10  }
0x35: {  	s10 =	sld [smem:$0x3FB6];
	_ =	sdelay $0x3  }
0x36: {  	p1 =	seq.s32 s10, $0x1;
	s10 =	sld [smem:$0x3FB7];
	_ =	sdelay $0x3  }
0x37: {  	[smem:$0x3FB7] =	sst s10  }
0x38: {  	s10 =	sld [smem:$0x3FB8]  }
0x39: {  	_ = 	snop;
	(pc) =	sbr.ind lr, $3  }
0x3a: {  	_ = 	snop  }
0x3b: {  	_ = 	snop  }
0x3c: {  	p2 =	seq.s32 s10, $0x1;
	s10 =	sld [smem:$0x3FB7]  }
0x3d: {  	_ =	shalt  }
0x3e: {  	_ =	shalt  }
0x3f: {  	_ =	shalt  }
0x40: {  	_ =	shalt  }
0x41: {  	_ =	shalt  }
0x42: {  	_ =	shalt  }
0x43: {  	_ =	shalt  }
0x44: {  	_ =	shalt  }
0x45: {  	_ =	shalt  }
0x46: {  	_ =	shalt  }
0x47: {  	_ =	shalt  }
0x48: {  	_ =	shalt  }
0x49: {  	_ =	shalt  }
0x4a: {  	_ =	shalt  }
0x4b: {  	_ =	shalt  }
0x4c: {  	_ =	shalt  }
0x4d: {  	_ =	shalt  }
0x4e: {  	_ =	shalt  }
0x4f: {  	_ =	shalt  }
0x50: {  	_ =	shalt  }
0x51: {  	_ =	shalt  }
0x52: {  	_ =	shalt  }
0x53: {  	_ =	shalt  }
0x54: {  	_ =	shalt  }
0x55: {  	_ =	shalt  }
0x56: {  	_ =	shalt  }
0x57: {  	_ =	shalt  }
0x58: {  	_ =	shalt  }
0x59: {  	_ =	shalt  }
0x5a: {  	_ =	shalt  }
0x5b: {  	_ =	shalt  }
0x5c: {  	_ =	shalt  }
0x5d: {  	_ =	shalt  }
0x5e: {  	_ =	shalt  }
0x5f: {  	_ =	shalt  }
0x60: {  	_ =	shalt  }
0x61: {  	_ =	shalt  }
0x62: {  	_ =	shalt  }
0x63: {  	_ =	shalt  }
0x64: {  	_ =	shalt  }
0x65: {  	_ =	shalt  }
0x66: {  	_ =	shalt  }
0x67: {  	_ =	shalt  }
0x68: {  	_ =	shalt  }
0x69: {  	_ =	shalt  }
0x6a: {  	_ =	shalt  }
0x6b: {  	_ =	shalt  }
0x6c: {  	_ =	shalt  }
0x6d: {  	_ =	shalt  }
0x6e: {  	_ =	shalt  }
0x6f: {  	_ =	shalt  }
0x70: {  	_ =	shalt  }
0x71: {  	_ =	shalt  }
0x72: {  	_ =	shalt  }
0x73: {  	_ =	shalt  }
0x74: {  	_ =	shalt  }
0x75: {  	_ =	shalt  }
0x76: {  	_ =	shalt  }
0x77: {  	_ =	shalt  }
0x78: {  	_ =	shalt  }
0x79: {  	_ =	shalt  }
0x7a: {  	_ =	shalt  }
0x7b: {  	_ =	shalt  }
0x7c: {  	_ =	shalt  }
0x7d: {  	_ =	shalt  }
0x7e: {  	_ =	shalt  }
0x7f: {  	_ =	shalt  }
0x80: {  	_ =	shalt  }
0x81: {  	_ =	shalt  }
0x82: {  	_ =	shalt  }
0x83: {  	_ =	shalt  }
0x84: {  	_ =	shalt  }
0x85: {  	_ =	shalt  }
0x86: {  	_ =	shalt  }
0x87: {  	_ =	shalt  }
.Lfunc_end0:
.L_simem_size_0:
called_computation_lowered:
.L_overlay_start_0:
0x88: {  	s2 =	sld [smem:$0x3FD9]  }
0x89: {  	s3 =	sld [smem:$0x3FFE];
	_ =	sdelay $0x1  }
0x8a: {  	s1 =	srdreg.scid  }
0x8b: {  	s0 =	sand.u32 $0x1, s1  }
0x8c: {  	s17 =	sshll.u32 s0, $0xA;
	s2 =	sadd.s32 s3, s2  }
0x8d: {  	s2 =	sadd.s32 s2, s17  }
0x8e: {  	[smem:$0x3FC3] =	sst s2  }
0x8f: {  	_ = 	snop  }
0x90: {  	s2 =	sld [smem:$0x3FC8];
	(tm) =	ssettm $0x1  }
0x91: {  	s18 =	sld [smem:$0x3FFB];
	_ =	sdelay $0x3  }
0x92: {  	_ =	strace s18  }
0x93: {  	s3 =	sld [smem:$0x3FFC];
	_ =	sdelay $0x3  }
0x94: {  	_ =	strace s3  }
0x95: {  	s3 =	sld [smem:$0x3FFD];
	_ =	sdelay $0x3  }
0x96: {  	_ =	strace s3  }
0x97: {  	_ =	strace $0x8FFFFFFF  }
0x98: {  	s19 =	sld [smem:$0x3FDB];
	_ =	sdelay $0x1  }
0x99: {  	s4 =	simm.s32 $_scs_section_size  }
0x9a: {  	s5 =	simm.s32 $_size__tile_overlayer_lowered;
	s6 =	simm.s32 $_tile_overlayer_lowered  }
0x9b: {  	s22 =	simm.s32 $0x1BFF;
	s21 =	sshll.u32 s6, $0x1;
	s3 =	sadd.s32 s4, s19  }
0x9c: {  	s7 =	simm.s32 $0x0;
	s20 =	sshll.u32 s5, $0x1;
	s5 =	sadd.s32 s21, s3  }
0x9d: {  	[timem:s7], [sflag:s22] =	dma.local [hbm:s5], s20  }
0x9e: {  	_ =	swait.ge [sflag:s22], s20  }
0x9f: {  	s4 =	ssub.s32 $0x0, s20;
	[sflag:s22] =	ssyncset.done $0x0  }
0xa0: {  	[sflag:s22] =	ssyncadd.s32 s4;
	_ =	sdelay $0x1  }
0xa1: {  	s23 =	simm.s32 $0x1B8B  }
0xa2: {  	_ =	swait.ge [sflag:s23], $0x1  }
0xa3: {  	[sflag:s23] =	ssyncset.done $0x0  }
0xa4: {  	s25 =	simm.s32 $0x1B8E;
	s24 =	sld [smem:$0x3FFE];
	[sflag:s23] =	ssyncadd.s32 $0xFFFFFFFF  }
0xa5: {  	s26 =	simm.s32 $execute0_lowered;
	[smem:$0x3FD2] =	sst s25  }
0xa6: {  	s5 =	sshll.u32 s26, $0x1;
	_ =	strace $0x80000046;
	[dreg:$0x1] =	wrdreg $0xFFFFFFFF  }
0xa7: {  	s28 =	simm.s32 $_size_execute0_lowered;
	s3 =	sadd.s32 s3, s5;
	[dreg:$0x0] =	wrdreg $0x0  }
0xa8: {  	s5 =	sshll.u32 s28, $0x1;
	[dreg:$0x2] =	wrdreg s3  }
0xa9: {  	[dreg:$0x3] =	wrdreg s5  }
0xaa: {  	[dreg:$0x4] =	wrdreg $0xC0  }
0xab: {  	_ =	task [dreg:s7], $0x5FFFF  }
0xac: {  	[dreg:$0x1] =	wrdreg $0xFFFFFFFF  }
0xad: {  	[dreg:$0x0] =	wrdreg $0x60  }
0xae: {  	[dreg:$0x2] =	wrdreg s2  }
0xaf: {  	[dreg:$0x3] =	wrdreg s24  }
0xb0: {  	[dreg:$0x4] =	wrdreg $0x9  }
0xb1: {  	_ =	task.clear_ibuf [dreg:s7], $0x5FFFF;
	_ =	strace $0x90000046  }
0xb2: {  	s29 =	simm.s32 $0x9;
	_ =	strace $0x80000048  }
0xb3: {  	_ =	swait.ge [sflag:s29], $0x1  }
0xb4: {  	[sflag:s29] =	ssyncadd.s32 $0xFFFFFFFF  }
0xb5: {  	_ =	strace $0x90000048  }
0xb6: {  	_ =	sfence  }
0xb7: {  	s30 =	sld [smem:$0x0];
	_ =	sdelay $0x2  }
0xb8: {  	s31 =	sshll.u32 s1, $0xD;
	s1 =	sshrl.u32 s1, $0x2  }
0xb9: {  	s3 =	sand.u32 $0x4000, s31;
	s1 =	sadd.s32 s1, s30  }
0xba: {  	s0 =	sor.u32 s3, s0;
	s1 =	sshll.u32 s1, $0x11  }
0xbb: {  	s0 =	sor.u32 s1, s0  }
0xbc: {  	s0 =	sadd.s32 $0x8F2B, s0  }
0xbd: {  	[sflag:s0] =	ssyncadd.remote.s32 $0x1  }
0xbe: {  	_ =	sfence.sel $0xFFFF  }
0xbf: {  	[dreg:$0x0] =	wrdreg $0xFFFFFFFF;
	(pc) =	sbr.abs _section_cstart, $3  }
0xc0: {  	[dreg:$0x1] =	wrdreg $0xFFFFFFFF  }
0xc1: {  	_ =	task.clear_ibuf [dreg:s7], $0x2FFFF;
	_ =	strace $0x9FFFFFFF  }
0xc2: {  	(tm) =	ssettm $0x7FFFFFFF  }
0xc3: {  	_ =	shalt  }
tec
execute0_lowered:
.L_overlay_start_1:
0x0: {  	(tag) =	ssettag $0x1  }
0x1: {  	v0 =	vimm.s32 $0x87654321;
	v1 =	vimm.s32 $0xFFEDCBA9;
	v2 =	vimm.s32 $0xFFFEDCBA  }
0x2: {  	v3 =	vimm.s32 $0xA9876543;
	vm0 =	vmmov $0x7fff;
	vm9 =	vcmask $0x1F00  }
0x3: {  	vm1 =	vmmov $0x3fff;
	v7 =	vimm.s32 $0xCBA98765;
	vm4 =	vcmask $0x2F20  }
0x4: {  	vm2 =	vmmov $0x1fff;
	v8 =	vimm.s32 $0xF0F0E0D;
	v9 =	vimm.s32 $0xFEDCBA98  }
0x5: {  	s6 =	rddreg [dreg:$0x1];
	vm3 =	vmmov $0xfff;
	vm5 =	vcmask $0x2320;
	v1 =	vunpack.c.l.s4.s8 v1  }
0x6: {  	s2 =	rddreg [dreg:$0x2];
	s3 =	simm.s32 $0x0;
	v21 =	vimm.s32 $0x0;
	v0 =	vunpack.c.l.s4.s8 v0;
	v2 =	vunpack.c.l.s4.s8 v2  }
0x7: {  	s1 =	srdreg.scid;
	[smem:$0x7FF] =	sst s3;
	v21 =	vsel vm0, $0xFFFFFFFF, v21;
	v10 =	vunpack.c.0.s8.s32 v1;
	v1 =	vimm.s32 $0x98765432  }
0x8: {  	s5 =	sand.u32 $0x1, s1;
	s1 =	rddreg [dreg:$0x0];
	_ =	strace $0x80000047;
	[tilespmem:$0x1FF10] =	vst v21;
	v21 =	vimm.s32 $0x0;
	v0 =	vunpack.c.0.s8.s32 v0;
	v1 =	vunpack.c.l.s4.s8 v1  }
0x9: {  	v3 =	vunpack.c.l.s4.s8 v3;
	v11 =	vunpack.c.0.s8.s32 v2;
	v21 =	vsel vm1, $0xFFFFFFFF, v21  }
0xa: {  	[tilespmem:$0x1FF20] =	vst v21;
	v21 =	vimm.s32 $0x0;
	v4 =	vcombine.low v0, v10;
	v5 =	vunpack.c.0.s8.s32 v1  }
0xb: {  	v7 =	vunpack.c.l.s4.s8 v7;
	v3 =	vunpack.c.0.s8.s32 v3;
	v21 =	vsel vm2, $0xFFFFFFFF, v21  }
0xc: {  	v2 =	vand.u32 $0xF, v4;
	v4 =	vcombine.low v5, v11;
	v5 =	vimm.s32 $0xBA987654  }
0xd: {  	v6 =	vand.u32 $0xF, v3;
	[tilespmem:$0x1FF30] =	vst v21;
	v21 =	vimm.s32 $0x0;
	v5 =	vunpack.c.l.s4.s8 v5  }
0xe: {  	v3 =	vand.u32 $0xF, v4;
	v4 =	vnsel vm9, $0xF, v6;
	v6 =	vimm.s32 $0xE0D0C0B  }
0xf: {  	v5 =	vunpack.c.0.s8.s32 v5;
	v12 =	vunpack.c.0.s8.s32 v6;
	v6 =	vimm.s32 $0xF0E0D0C  }
0x10: {  	v13 =	vunpack.c.0.s8.s32 v6;
	v6 =	vunpack.c.0.s8.s32 v7;
	v7 =	vimm.s32 $0xDCBA9876  }
0x11: {  	v15 =	vunpack.c.0.s8.s32 v8;
	v21 =	vsel vm3, $0xFFFFFFFF, v21;
	v7 =	vunpack.c.l.s4.s8 v7  }
0x12: {  	v8 =	vimm.s32 $0xEDCBA987;
	[tilespmem:$0x1FF40] =	vst v21;
	v21 =	vimm.s32 $0x0;
	v5 =	vand.u32 $0xF, v5  }
0x13: {  	v5 =	vnsel vm9, $0xF, v5;
	v6 =	vand.u32 $0xF, v6;
	v7 =	vunpack.c.0.s8.s32 v7  }
0x14: {  	v4 =	vsel vm4, v12, v4;
	v5 =	vsel vm4, v13, v5;
	v6 =	vnsel vm9, $0xF, v6  }
0x15: {  	v6 =	vsel vm4, v15, v6;
	vm4 =	vmmov $0x7ff;
	v7 =	vand.u32 $0xF, v7  }
0x16: {  	v9 =	vunpack.c.l.s4.s8 v9;
	v21 =	vsel vm4, $0xFFFFFFFF, v21;
	v7 =	vnsel vm9, $0xF, v7  }
0x17: {  	[tilespmem:$0x1FF50] =	vst v21;
	v21 =	vimm.s32 $0x0;
	v7 =	vsel vm5, $0xE, v7;
	vm5 =	vmmov $0x3ff  }
0x18: {  	v8 =	vunpack.c.l.s4.s8 v8;
	v21 =	vsel vm5, $0xFFFFFFFF, v21  }
0x19: {  	vm6 =	vmmov $0x1ff;
	v9 =	vunpack.c.0.s8.s32 v9;
	[tilespmem:$0x1FF60] =	vst v21;
	v21 =	vimm.s32 $0x0  }
0x1a: {  	vm7 =	vmmov $0xff;
	v8 =	vunpack.c.0.s8.s32 v8;
	v21 =	vsel vm6, $0xFFFFFFFF, v21  }
0x1b: {  	vm8 =	vmmov $0x7f;
	v9 =	vand.u32 $0xF, v9;
	[tilespmem:$0x1FF70] =	vst v21;
	v21 =	vimm.s32 $0x0  }
0x1c: {  	v10 =	vand.u32 $0xF, v10;
	v8 =	vand.u32 $0xF, v8;
	v21 =	vsel vm7, $0xFFFFFFFF, v21  }
0x1d: {  	v9 =	vnsel vm9, $0xF, v9;
	v10 =	vnsel vm9, $0xF, v10;
	[tilespmem:$0x1FF80] =	vst v21;
	v21 =	vimm.s32 $0x0  }
0x1e: {  	v8 =	vnsel vm9, $0xF, v8;
	v11 =	vand.u32 $0xF, v11;
	v21 =	vsel vm8, $0xFFFFFFFF, v21  }
0x1f: {  	v11 =	vnsel vm9, $0xF, v11;
	vm9 =	vmmov $0x3f;
	[tilespmem:$0x1FF90] =	vst v21;
	v21 =	vimm.s32 $0x0  }
0x20: {  	s0 =	stileid.u32;
	v21 =	vsel vm9, $0xFFFFFFFF, v21  }
0x21: {  	vm10 =	vmmov $0x1f;
	s28 =	sshll.u32 s0, $0x1;
	[tilespmem:$0x1FFA0] =	vst v21;
	v21 =	vimm.s32 $0x0  }
0x22: {  	vm12 =	vcmask $0xF00;
	s10 =	simm.s32 $0x2000;
	s11 =	simm.s32 $0x2880;
	s4 =	sor.u32 s5, s28;
	v21 =	vsel vm10, $0xFFFFFFFF, v21  }
0x23: {  	vm11 =	vmmov $0xf;
	s12 =	simm.s32 $0x80;
	s13 =	simm.s32 $0x400;
	s14 =	simm.s32 $0x3180;
	v0 =	vmov s4;
	[tilespmem:$0x1FFB0] =	vst v21;
	v21 =	vimm.s32 $0x0  }
0x24: {  	s15 =	simm.s32 $0x2;
	s16 =	simm.s32 $0x0;
	s7 =	sshrl.u32 s0, $0x2;
	v12 =	vnsel vm12, $0xF, v12;
	v13 =	vnsel vm12, $0xF, v13;
	v21 =	vsel vm11, $0xFFFFFFFF, v21  }
0x25: {  	s30 =	sshll.u32 s0, $0xC;
	s8 =	sshll.u32 s7, $0xE;
	s4 =	sshll.u32 s4, $0x7;
	v15 =	vnsel vm12, $0xF, v15;
	vm12 =	vmmov $0x7;
	[tilespmem:$0x1FFC0] =	vst v21;
	v21 =	vimm.s32 $0x0  }
0x26: {  	vm13 =	vcmask $0x300;
	v14 =	vimm.s32 $0xF;
	s7 =	sshll.u32 s7, $0xA;
	s29 =	ssub.s32 $0x2, s5;
	s4 =	sand.u32 $0x380, s4;
	v21 =	vsel vm12, $0xFFFFFFFF, v21  }
0x27: {  	v16 =	vsel vm13, $0xE, v14;
	vm13 =	vmmov $0x3;
	s31 =	sshll.u32 s5, $0xB;
	s8 =	sor.u32 s8, s4;
	s4 =	sor.u32 s7, s4;
	[tilespmem:$0x1FFD0] =	vst v21;
	v21 =	vimm.s32 $0x0  }
0x28: {  	s9 =	sshrl.u32 s29, $0x1;
	s8 =	sshrl.u32 s8, $0x3;
	s4 =	sshrl.u32 s4, $0x3;
	v21 =	vsel vm13, $0xFFFFFFFF, v21  }
0x29: {  	vm14 =	vmmov $0x1;
	s7 =	ssub.s32 s29, s9;
	s8 =	sadd.s32 s8, s6;
	s6 =	sadd.s32 s4, s6;
	[tilespmem:$0x1FFE0] =	vst v21;
	v21 =	vimm.s32 $0x0  }
0x2a: {  	v17 =	vlaneseq.u32;
	v19 =	vimm.s32 $0x0;
	s9 =	simm.s32 $0x3100;
	s4 =	sadd.s32 $0xE00, s8;
	s5 =	sadd.s32 $0x2E00, s6;
	v21 =	vsel vm14, $0xFFFFFFFF, v21  }
0x2b: {  	v18 =	vor.u32 $0x800, v17;
	v20 =	vmul.u32 $0x2000, v17;
	v1 =	vimm.s32 $0xFFFFFFFF;
	s6 =	smax.u32 s7, $0x1;
	s7 =	sor.u32 s31, s30;
	s8 =	simm.s32 $0x1;
	[tilespmem:$0x1FFF0] =	vst v21  }
.LBB2_1:
0x2c: {  	[tilespmem:s3], [sflag:$0x1] =	stream.linear.gather [hbm4b:s1+s3], $0x2000, $0x38;
	[tilespmem:$0x3200] =	vst v63  }
0x2d: {  	_ =	swait.ge [sflag:s8], $0x2000  }
0x2e: {  	[sflag:s8] =	ssyncset.done $0x0  }
0x2f: {  	s17 =	simm.s32 $0x40;
	s18 =	simm.s32 $0x0;
	[sflag:s8] =	ssyncadd.s32 $0xFFFFE000  }
.LBB2_2:
0x30: {  	p0 =	sne.s32 s17, $0x1FC0;
	[tilespmem:s18+$0x2000] =	vst v1;
	s18 =	smov.u32 s17;
	s17 =	sadd.s32 $0x40, s17  }
.Ltmp0:
0x31: {  	(pc) =	sbr.rel @p0 .LBB2_2-.Ltmp0, $2  }
0x32: {  	_ =	sdelay $0x2  }
0x33: {  	s18 =	sshra.s32 s18, $0x2  }
0x34: {  	v21 =	vld [tilespmem:$0x1FF50];
	_ =	sdelay $0x4  }
0x35: {  	vm6 =	vnez.u8 v21;
	v21 =	vld [tilespmem:$0x1FF60];
	_ =	sdelay $0x4  }
0x36: {  	vm7 =	vnez.u8 v21;
	v21 =	vld [tilespmem:$0x1FF70];
	_ =	sdelay $0x4  }
0x37: {  	vm8 =	vnez.u8 v21;
	v21 =	vld [tilespmem:$0x1FF80];
	_ =	sdelay $0x4  }
0x38: {  	vm9 =	vnez.u8 v21;
	v21 =	vld [tilespmem:$0x1FF90];
	_ =	sdelay $0x4  }
0x39: {  	vm10 =	vnez.u8 v21;
	v21 =	vld [tilespmem:$0x1FFA0];
	_ =	sdelay $0x4  }
0x3a: {  	vm11 =	vnez.u8 v21;
	v21 =	vld [tilespmem:$0x1FFB0];
	_ =	sdelay $0x4  }
0x3b: {  	vm12 =	vnez.u8 v21;
	v21 =	vld [tilespmem:$0x1FFC0];
	_ =	sdelay $0x4  }
0x3c: {  	vm13 =	vnez.u8 v21;
	v21 =	vld [tilespmem:$0x1FFD0];
	_ =	sdelay $0x4  }
0x3d: {  	vm14 =	vnez.u8 v21;
	v21 =	vld [tilespmem:$0x1FFE0];
	_ =	sdelay $0x4  }
0x3e: {  	vm4 =	vnez.u8 v21;
	v21 =	vld [tilespmem:$0x1FFF0];
	_ =	sdelay $0x4  }
0x3f: {  	[tilespmem:s18+$0x2000] =	vst v1;
	s17 =	simm.s32 $0x0;
	s18 =	simm.s32 $0x0;
	vm2 =	vmmov vm0;
	vm3 =	vmmov vm1;
	vm5 =	vnez.u8 v21  }
.LBB2_4:
0x40: {  	v21 =	vld [tilespmem:s17+$0x0];
	_ =	sdelay $0x4  }
0x41: {  	[tilespmem:$0x3100] =	vst v21  }
0x42: {  	v22 =	vld.idx.msk [tilespmem:v2+s9+$0x0], $0xffff  }
0x43: {  	v23 =	vld.idx.msk [tilespmem:v3+s9+$0x0], $0xffff  }
0x44: {  	v57 =	vld [tilespmem:$0x1FF30]  }
0x45: {  	v24 =	vld.idx.msk [tilespmem:v4+s9+$0x0], $0xffff  }
0x46: {  	v59 =	vld [tilespmem:$0x1FF40]  }
0x47: {  	v25 =	vld.idx.msk [tilespmem:v5+s9+$0x0], $0xffff  }
0x48: {  	v26 =	vld.idx.msk [tilespmem:v6+s9+$0x0], $0xffff;
	vm15 =	veq.s32 v21, v22;
	vm0 =	veq.s32 v21, v23  }
0x49: {  	v27 =	vld.idx.msk [tilespmem:v7+s9+$0x0], $0xffff;
	vm15 =	vmand vm15, vm2;
	vm0 =	vmand vm0, vm3  }
0x4a: {  	v22 =	vld.idx.msk [tilespmem:v8+s9+$0x0], $0xffff;
	vm1 =	veq.s32 v21, v24;
	vm0 =	vmor vm15, vm0;
	vm15 =	vnez.u8 v57  }
0x4b: {  	v23 =	vld.idx.msk [tilespmem:v9+s9+$0x0], $0xffff;
	vm1 =	vmand vm1, vm15  }
0x4c: {  	v58 =	vld.idx.msk [tilespmem:v10+s9+$0x0], $0xffff;
	vm15 =	veq.s32 v21, v25;
	vm0 =	vmor vm0, vm1;
	vm1 =	vnez.u8 v59  }
0x4d: {  	v60 =	vld.idx.msk [tilespmem:v11+s9+$0x0], $0xffff;
	vm1 =	vmand vm15, vm1;
	vm15 =	veq.s32 v21, v26  }
0x4e: {  	v61 =	vld.idx.msk [tilespmem:v12+s9+$0x0], $0xffff;
	vm0 =	vmor vm0, vm1;
	vm1 =	vmand vm15, vm6;
	vm15 =	veq.s32 v21, v27  }
0x4f: {  	vm0 =	vmor vm0, vm1;
	vm1 =	vmand vm15, vm7;
	vm15 =	veq.s32 v21, v22;
	v22 =	vld.idx.msk [tilespmem:v13+s9+$0x0], $0xffff  }
0x50: {  	vm0 =	vmor vm0, vm1;
	vm1 =	vmand vm15, vm8;
	vm15 =	veq.s32 v21, v23;
	v23 =	vld.idx.msk [tilespmem:v15+s9+$0x0], $0xffff  }
0x51: {  	v62 =	vld.idx.msk [tilespmem:v16+s9+$0x0], $0xffff;
	vm0 =	vmor vm0, vm1;
	vm1 =	vmand vm15, vm9;
	vm15 =	veq.s32 v21, v58  }
0x52: {  	v63 =	vld.idx.msk [tilespmem:v14+s9+$0x0], $0xffff;
	vm0 =	vmor vm0, vm1;
	vm1 =	vmand vm15, vm10;
	vm15 =	veq.s32 v21, v60  }
0x53: {  	vm0 =	vmor vm0, vm1;
	vm1 =	veq.s32 v21, v61;
	vm15 =	vmand vm15, vm11  }
0x54: {  	vm0 =	vmor vm0, vm15;
	vm15 =	veq.s32 v21, v22;
	vm1 =	vmand vm1, vm12  }
0x55: {  	vm0 =	vmor vm0, vm1;
	vm1 =	veq.s32 v21, v23;
	vm15 =	vmand vm15, vm13  }
0x56: {  	vm0 =	vmor vm0, vm15;
	vm15 =	veq.s32 v21, v62;
	vm1 =	vmand vm1, vm14  }
0x57: {  	vm0 =	vmor vm0, vm1;
	vm1 =	vmand vm15, vm4;
	vm15 =	veq.s32 v21, v63  }
0x58: {  	v22 =	vshrl.u32 v21, $0xB;
	vm0 =	vmor vm0, vm1;
	vm1 =	vmand vm15, vm5  }
0x59: {  	vm0 =	vmor vm0, vm1;
	vm1 =	vne.s32 v22, v0  }
0x5a: {  	v21 =	vand.u32 $0x7FF, v21;
	vm0 =	vmor vm1, vm0  }
0x5b: {  	p0 =	sne.s32 s18, $0x1FF0;
	v21 =	vsel vm0, v18, v21  }
.Ltmp1:
0x5c: {  	_ = 	snop;
	(pc) =	sbr.rel @p0 .LBB2_4-.Ltmp1, $3  }
0x5d: {  	_ =	sdelay $0x1  }
0x5e: {  	v22 =	vor.u32 s18, v17  }
0x5f: {  	s17 =	sadd.s32 $0x10, s17;
	s18 =	sadd.s32 $0x10, s18;
	[tilespmem:v21+s10+$0x0] =	vst.idx.msk $0xffff, v22  }
0x60: {  	s17 =	simm.s32 $0x0  }
0x61: {  	v21 =	vld [tilespmem:s17+$0x2000];
	_ =	sdelay $0x4  }
0x62: {  	vm0 =	vgt.s32 v21, $0xFFFFFFFF  }
0x63: {  	v22 =	vsel vm0, $0x1, v19  }
0x64: {  	(xrf0) =	vadd.scan.msk.s32 $0xffff, v22;
	_ =	sdelay $0x5  }
0x65: {  	v22 =	vimm.s32 $0x0;
	v23, _, _ =	vpop (xrf0)  }
0x66: {  	v24 =	vmov s7;
	v23 =	vadd.s32 v23, v22  }
0x67: {  	v24 =	vshll.u32 v24, $0xD;
	v23 =	vadd.s32 $0xFFFFFFFF, v23  }
0x68: {  	vm1 =	vgt.s32 v21, $0x0;
	v25 =	vmpcnt.ones.xlane vm0;
	v23 =	vsel vm0, v23, v18  }
0x69: {  	v24 =	vor.u32 v20, v24;
	v26 =	vnsel vm1, $0x0, v21  }
0x6a: {  	v21 =	vadd.s32 v22, v25;
	v22 =	vadd.s32 v24, v26;
	_ =	sdelay $0x2  }
0x6b: {  	s19 =	simm.s32 $0x10;
	s18 =	simm.s32 $0x80;
	s17 =	smov.u32 s7;
	[tilespmem:v23+s11+$0x0] =	vst.idx.msk vm0, v22;
	v22 =	vmov v21  }
.LBB2_6:
0x6c: {  	p0 =	sne.s32 s18, $0x1FC0;
	v23 =	vld [tilespmem:s19+$0x2000];
	_ =	sdelay $0x4  }
0x6d: {  	vm15 =	vgt.s32 v23, $0xFFFFFFFF  }
0x6e: {  	v24 =	vmpcnt.ones.xlane vm15;
	v25 =	vsel vm15, $0x1, v19  }
0x6f: {  	(xrf0) =	vadd.scan.msk.s32 $0xffff, v25  }
0x70: {  	v21 =	vadd.s32 v21, v24;
	_ =	sdelay $0x4  }
0x71: {  	v24, _, _ =	vpop (xrf0)  }
0x72: {  	v24 =	vadd.s32 v24, v22;
	v22 =	vmov v21  }
0x73: {  	v24 =	vadd.s32 $0xFFFFFFFF, v24  }
0x74: {  	s17 =	sadd.s32 $0x10, s17;
	v24 =	vsel vm15, v24, v18  }
.Ltmp2:
0x75: {  	v25 =	vmov s17;
	(pc) =	sbr.rel @p0 .LBB2_6-.Ltmp2, $4  }
0x76: {  	vm0 =	vgt.s32 v23, $0x0;
	v25 =	vshll.u32 v25, $0xD  }
0x77: {  	v23 =	vnsel vm0, $0x0, v23;
	v25 =	vor.u32 v20, v25  }
0x78: {  	v23 =	vadd.s32 v25, v23  }
0x79: {  	s19 =	sshra.s32 s18, $0x2;
	s18 =	sadd.s32 $0x40, s18;
	[tilespmem:v24+s11+$0x0] =	vst.idx.msk vm15, v23  }
0x7a: {  	v23 =	vld [tilespmem:s19+$0x2000];
	_ =	sdelay $0x4  }
0x7b: {  	vm0 =	vgt.s32 v23, $0xFFFFFFFF  }
0x7c: {  	v24 =	vsel vm0, $0x1, v19  }
0x7d: {  	(xrf0) =	vadd.scan.msk.s32 $0xffff, v24;
	_ =	sdelay $0x5  }
0x7e: {  	v24, _, _ =	vpop (xrf0)  }
0x7f: {  	v22 =	vadd.s32 v24, v22  }
0x80: {  	v22 =	vadd.s32 $0xFFFFFFFF, v22  }
0x81: {  	s17 =	sadd.s32 $0x10, s17;
	v22 =	vsel vm0, v22, v18  }
0x82: {  	v63 =	vmov s17  }
0x83: {  	vm1 =	vgt.s32 v23, $0x0;
	v24 =	vshll.u32 v63, $0xD  }
0x84: {  	v23 =	vnsel vm1, $0x0, v23;
	v25 =	vmpcnt.ones.xlane vm0;
	v24 =	vor.u32 v20, v24  }
0x85: {  	v23 =	vadd.s32 v24, v23  }
0x86: {  	v21 =	vadd.s32 v21, v25;
	[tilespmem:v22+s11+$0x0] =	vst.idx.msk vm0, v23  }
0x87: {  	[tilespmem:$0x3180] =	vst v21  }
0x88: {  	[hbm4b:s4+s12] =	stream.strided.scatter [tilespmem:s11], [sflag:$0x2], $0x800, s13, s12, $0x38;
	[tilespmem:$0x3200] =	vst v63  }
0x89: {  	_ = 	snop  }
0x8a: {  	[hbm4b:s5+s3] =	stream.linear.scatter [tilespmem:s14], [sflag:$0x2], $0x80, $0x38;
	[tilespmem:$0x3200] =	vst v63  }
0x8b: {  	_ =	swait.ge [sflag:s15], $0x800  }
0x8c: {  	[sflag:s15] =	ssyncset.done $0x0  }
0x8d: {  	[sflag:s15] =	ssyncadd.s32 $0xFFFFF800  }
0x8e: {  	_ =	swait.ge [sflag:s15], $0x80  }
0x8f: {  	v21 =	vld [tilespmem:$0x1FF10];
	_ =	sdelay $0x3  }
0x90: {  	s16 =	sadd.s32 $0x1, s16  }
0x91: {  	p0 =	sne.s32 s16, s6;
	vm0 =	vnez.u8 v21;
	v21 =	vld [tilespmem:$0x1FF20]  }
.Ltmp3:
0x92: {  	_ = 	snop;
	(pc) =	sbr.rel @p0 .LBB2_1-.Ltmp3, $3  }
0x93: {  	_ =	sdelay $0x1  }
0x94: {  	[sflag:s15] =	ssyncset.done $0x0  }
0x95: {  	[sflag:s15] =	ssyncadd.s32 $0xFFFFFF80;
	vm1 =	vnez.u8 v21  }
0x96: {  	_ =	sfence.sel $0x180000  }
0x97: {  	[bflag:$0x0] =	sbarrier.arrive $0xFFFF  }
0x98: {  	p0 =	sne.s32 s0, $0x0;
	_ =	strace $0x90000047  }
0x99: {  	s0 =	sadd.s32 @!p0 $0x100000, s2;
	[bflag:$0x2] =	sbarrier.arrive $0xFFFF  }
0x9a: {  	[sflag:s0] =	ssyncadd.tile.s32 @!p0 $0x1;
	_ =	shalt  }
.Lfunc_end2:
_tile_overlayer_lowered:
.L_overlay_start_2:
0x9b: {  	(tag) =	ssettag $0x2  }
0x9c: {  	s0 =	rddreg [dreg:$0x0];
	s2 =	stileid.u32  }
0x9d: {  	s1 =	rddreg [dreg:$0x1];
	p0 =	sne.s32 s2, $0x0  }
0x9e: {  	s3 =	rddreg [dreg:$0x2];
	[bflag:$0x3] =	sbarrier.arrive $0xFFFF;
	s2 =	simm.s32 @!p0 $0x1C03  }
0x9f: {  	[timem:s3], [sflag:s2] =	dma.local @!p0 [hbm:s0], s1  }
0xa0: {  	s0 =	simm.s32 @!p0 $0x3  }
0xa1: {  	_ =	swait.ge @!p0 [sflag:s0], s1  }
0xa2: {  	s1 =	ssub.s32 @!p0 $0x0, s1;
	[sflag:s0] =	ssyncset.done @!p0 $0x0  }
0xa3: {  	[sflag:s0] =	ssyncadd.s32 @!p0 s1  }
0xa4: {  	[bflag:$0x3] =	sbarrier.arrive $0xFFFF  }
0xa5: {  	_ =	shalt  }

</sc_bundles>
